<compile_context>
chip_gen: v7x
topology: tpu7x:2x2x1
jax: 0.10.2.dev20260603
libtpu: 0.0.44.dev20260713+nightly
codegen_flags: <defaults>
</compile_context>

<pallas_src>
import functools

import jax
import jax.numpy as jnp
from jax import lax
from jax.experimental import pallas as pl
from jax.experimental.pallas import tpu as pltpu
from jax.experimental.pallas import tpu_sc as plsc

N = 10000
E = 320000
D = 128

NC = 2
NS = 16
NW = NC * NS
EDGES_PER_W = E // NW
CHUNK = 400
NCHUNK = EDGES_PER_W // CHUNK
NPAD = 10240
ROWS_PER_TILE = NPAD // NS
WB_CHUNK = 160
SCHUNK = 200
NSCHUNK = EDGES_PER_W // SCHUNK

_sc_mesh = plsc.VectorSubcoreMesh(core_axis_name="c", subcore_axis_name="s")


def _wid(c, s):
    return s * NC + c


@functools.partial(
    pl.kernel,
    mesh=_sc_mesh,
    out_type=[
        jax.ShapeDtypeStruct((E, D), jnp.float32),
        jax.ShapeDtypeStruct((E, D), jnp.float32),
        jax.ShapeDtypeStruct((E,), jnp.float32),
    ],
    scratch_types=[
        pltpu.VMEM((CHUNK,), jnp.int32),
        pltpu.VMEM((CHUNK,), jnp.int32),
        pltpu.VMEM((CHUNK, D), jnp.float32),
        pltpu.VMEM((CHUNK,), jnp.float32),
        pltpu.VMEM((4 * N,), jnp.float32),
        pltpu.SemaphoreType.DMA,
    ],
    compiler_params=pltpu.CompilerParams(needs_layout_passes=False),
)
def _sc_gather(h_hbm, x4_hbm, row_hbm, col_hbm,
               hr_hbm, hc_hbm, rad_hbm,
               idx_r, idx_c, hbuf, radbuf, xloc, sem):
    c = lax.axis_index("c")
    s = lax.axis_index("s")
    base = _wid(c, s) * EDGES_PER_W

    pltpu.sync_copy(x4_hbm, xloc)

    def body(j, _):
        off = base + j * CHUNK
        pltpu.sync_copy(row_hbm.at[pl.ds(off, CHUNK)], idx_r)
        pltpu.sync_copy(col_hbm.at[pl.ds(off, CHUNK)], idx_c)
        pltpu.async_copy(h_hbm.at[idx_r], hbuf, sem).wait()
        pltpu.sync_copy(hbuf, hr_hbm.at[pl.ds(off, CHUNK)])
        pltpu.async_copy(h_hbm.at[idx_c], hbuf, sem).wait()
        pltpu.sync_copy(hbuf, hc_hbm.at[pl.ds(off, CHUNK)])

        def rgroup(g, _2):
            ir = idx_r[pl.ds(g * 16, 16)] * 4
            ic = idx_c[pl.ds(g * 16, 16)] * 4
            acc = jnp.zeros((16,), jnp.float32)
            for k in range(3):
                xrk = plsc.load_gather(xloc, [ir + k])
                xck = plsc.load_gather(xloc, [ic + k])
                dk = xrk - xck
                acc = acc + dk * dk
            radbuf[pl.ds(g * 16, 16)] = acc
            return _2

        lax.fori_loop(0, CHUNK // 16, rgroup, 0)
        pltpu.sync_copy(radbuf, rad_hbm.at[pl.ds(off, CHUNK)])
        return _

    lax.fori_loop(0, NCHUNK, body, 0)


def _silu(v):
    return v * jax.nn.sigmoid(v)


def _edge_mlp_body(hr, hc, rad, ea, wa, wb, wrad, wea, be1, we2, be2, m_out):
    radial = rad[...]
    acc = jax.lax.dot_general(hr[...], wa[...], (((1,), (0,)), ((), ())),
                              preferred_element_type=jnp.float32)
    acc += jax.lax.dot_general(hc[...], wb[...], (((1,), (0,)), ((), ())),
                               preferred_element_type=jnp.float32)
    acc += jax.lax.dot_general(ea[...], wea[...], (((1,), (0,)), ((), ())),
                               preferred_element_type=jnp.float32)
    acc += radial * wrad[...]
    acc += be1[...]
    m1 = _silu(acc)
    m2 = jax.lax.dot_general(m1, we2[...], (((1,), (0,)), ((), ())),
                             preferred_element_type=jnp.float32)
    m2 += be2[...]
    m_out[...] = _silu(m2)


def _edge_mlp(hr, hc, rad, ea, wa, wb, wrad, wea, be1, we2, be2, blk=2000):
    grid = (E // blk,)
    return pl.pallas_call(
        _edge_mlp_body,
        grid=grid,
        in_specs=[
            pl.BlockSpec((blk, D), lambda i: (i, 0)),
            pl.BlockSpec((blk, D), lambda i: (i, 0)),
            pl.BlockSpec((blk, 1), lambda i: (i, 0)),
            pl.BlockSpec((blk, 16), lambda i: (i, 0)),
            pl.BlockSpec((D, D), lambda i: (0, 0)),
            pl.BlockSpec((D, D), lambda i: (0, 0)),
            pl.BlockSpec((1, D), lambda i: (0, 0)),
            pl.BlockSpec((16, D), lambda i: (0, 0)),
            pl.BlockSpec((1, D), lambda i: (0, 0)),
            pl.BlockSpec((D, D), lambda i: (0, 0)),
            pl.BlockSpec((1, D), lambda i: (0, 0)),
        ],
        out_specs=pl.BlockSpec((blk, D), lambda i: (i, 0)),
        out_shape=jax.ShapeDtypeStruct((E, D), jnp.float32),
    )(hr, hc, rad, ea, wa, wb, wrad, wea, be1, we2, be2)


@functools.partial(
    pl.kernel,
    mesh=_sc_mesh,
    out_type=jax.ShapeDtypeStruct((NC, NPAD, D), jnp.float32),
    scratch_types=[
        pltpu.VMEM((SCHUNK,), jnp.int32),
        pltpu.VMEM((SCHUNK, D), jnp.float32),
        pltpu.VMEM_SHARED((NPAD, D), jnp.float32),
    ],
)
def _sc_scatter(m_hbm, row_hbm, zeros_hbm, agg_hbm, idx_v, mbuf, agg_sh):
    c = lax.axis_index("c")
    s = lax.axis_index("s")
    base = _wid(c, s) * EDGES_PER_W

    pltpu.sync_copy(zeros_hbm, agg_sh.at[pl.ds(s * ROWS_PER_TILE, ROWS_PER_TILE)])
    plsc.subcore_barrier()

    def body(j, _):
        off = base + j * SCHUNK
        pltpu.sync_copy(row_hbm.at[pl.ds(off, SCHUNK)], idx_v)
        pltpu.sync_copy(m_hbm.at[pl.ds(off, SCHUNK)], mbuf)
        pltpu.sync_copy(mbuf, agg_sh.at[idx_v], add=True)
        return _

    lax.fori_loop(0, NSCHUNK, body, 0)

    plsc.subcore_barrier()
    def wb(j, _):
        r = s * ROWS_PER_TILE + j * WB_CHUNK
        pltpu.sync_copy(agg_sh.at[pl.ds(r, WB_CHUNK)], mbuf.at[pl.ds(0, WB_CHUNK)])
        pltpu.sync_copy(mbuf.at[pl.ds(0, WB_CHUNK)], agg_hbm.at[c, pl.ds(r, WB_CHUNK)])
        return _

    lax.fori_loop(0, ROWS_PER_TILE // WB_CHUNK, wb, 0)


def _node_mlp_body(h, agg, wna, wnb, bn1, wn2, bn2, out):
    a = agg[0] + agg[1]
    acc = jax.lax.dot_general(h[...], wna[...], (((1,), (0,)), ((), ())),
                              preferred_element_type=jnp.float32)
    acc += jax.lax.dot_general(a, wnb[...], (((1,), (0,)), ((), ())),
                               preferred_element_type=jnp.float32)
    acc += bn1[...]
    o = _silu(acc)
    o = jax.lax.dot_general(o, wn2[...], (((1,), (0,)), ((), ())),
                            preferred_element_type=jnp.float32)
    out[...] = o + bn2[...] + h[...]


def _node_mlp(h, agg2, wna, wnb, bn1, wn2, bn2, blk=2000):
    grid = (N // blk,)
    return pl.pallas_call(
        _node_mlp_body,
        grid=grid,
        in_specs=[
            pl.BlockSpec((blk, D), lambda i: (i, 0)),
            pl.BlockSpec((NC, blk, D), lambda i: (0, i, 0)),
            pl.BlockSpec((D, D), lambda i: (0, 0)),
            pl.BlockSpec((D, D), lambda i: (0, 0)),
            pl.BlockSpec((1, D), lambda i: (0, 0)),
            pl.BlockSpec((D, D), lambda i: (0, 0)),
            pl.BlockSpec((1, D), lambda i: (0, 0)),
        ],
        out_specs=pl.BlockSpec((blk, D), lambda i: (i, 0)),
        out_shape=jax.ShapeDtypeStruct((N, D), jnp.float32),
    )(h, agg2, wna, wnb, bn1, wn2, bn2)


def kernel(h, x, edges, edge_attr, We1, be1, We2, be2, Wn1, bn1, Wn2, bn2):
    row = edges[0].astype(jnp.int32)
    col = edges[1].astype(jnp.int32)
    x4flat = jnp.pad(x, ((0, 0), (0, 1))).reshape(-1)

    hr, hc, rad = _sc_gather(h, x4flat, row, col)

    wa = We1[0:D]
    wb = We1[D:2 * D]
    wrad = We1[2 * D:2 * D + 1]
    wea = We1[2 * D + 1:]
    m = _edge_mlp(hr, hc, rad.reshape(E, 1), edge_attr, wa, wb, wrad, wea,
                  be1.reshape(1, D), We2, be2.reshape(1, D))

    zeros = jnp.zeros((ROWS_PER_TILE, D), jnp.float32)
    agg2 = _sc_scatter(m, row, zeros)

    h_out = _node_mlp(h, agg2, Wn1[0:D], Wn1[D:], bn1.reshape(1, D),
                      Wn2, bn2.reshape(1, D))
    return (h_out, x, edge_attr)

# --- scband reference (transcript-rebuilt; emitter-appended) ---
"""Pipeline reference for scband-egnnlayer-893353197946 (READ-ONLY COPY).

The authoritative reference and input builder live on the scoring server;
editing this copy changes nothing except your own understanding.
"""

import jax, jax.numpy as jnp
import numpy as np

N = 10000
E = 320000
D = 128
ED = 16


def _lin(key, fin, fout):
    lim = 1.0 / np.sqrt(fin)
    kw, kb = jax.random.split(key)
    W = jax.random.uniform(kw, (fin, fout), minval=-lim, maxval=lim, dtype=jnp.float32)
    b = jax.random.uniform(kb, (fout,), minval=-lim, maxval=lim, dtype=jnp.float32)
    return W, b


def setup_inputs(seed: int = 0) -> dict:
    key = jax.random.key(seed)
    ks = jax.random.split(key, 8)
    inp = {}
    inp['h'] = jax.random.normal(ks[0], (N, D), dtype=jnp.float32)
    inp['x'] = jax.random.normal(ks[1], (N, 3), dtype=jnp.float32)
    inp['edges'] = jax.random.randint(ks[2], (2, E), 0, N)
    inp['edge_attr'] = jax.random.normal(ks[3], (E, ED), dtype=jnp.float32)
    # edge_mlp: Linear(2D+1+ED -> D), SiLU, Linear(D -> D), SiLU
    inp['We1'], inp['be1'] = _lin(ks[4], 2 * D + 1 + ED, D)
    inp['We2'], inp['be2'] = _lin(ks[5], D, D)
    # node_mlp: Linear(D + D -> D), SiLU, Linear(D -> D)
    inp['Wn1'], inp['bn1'] = _lin(ks[6], 2 * D, D)
    inp['Wn2'], inp['bn2'] = _lin(ks[7], D, D)
    return inp


def _silu(v):
    return v * jax.nn.sigmoid(v)


def reference(h, x, edges, edge_attr, We1, be1, We2, be2, Wn1, bn1, Wn2, bn2):
    row = edges[0]
    col = edges[1]
    # coord2radial (normalize=False)
    coord_diff = x[row] - x[col]
    radial = jnp.sum(coord_diff ** 2, axis=1, keepdims=True)
    # edge_model (attention=False): edge_mlp([h_row, h_col, radial, edge_attr])
    e_in = jnp.concatenate([h[row], h[col], radial, edge_attr], axis=1)
    m = _silu(e_in @ We1 + be1)
    m = _silu(m @ We2 + be2)
    # node_model: unsorted_segment_sum of edge messages onto row (dst) nodes
    agg = jnp.zeros((h.shape[0], m.shape[1]), dtype=m.dtype).at[row].add(m)
    n_in = jnp.concatenate([h, agg], axis=1)
    out = _silu(n_in @ Wn1 + bn1)
    out = out @ Wn2 + bn2
    # residual=True
    h_out = h + out
    # update_coords=False: x and edge_attr pass through unchanged
    return (h_out, x, edge_attr)

if __name__ == "__main__":
    import jax
    _d = setup_inputs()
    print(jax.jit(kernel)(*tuple(_d.values())))

</pallas_src>

<mosaic_0001>
#map = affine_map<(d0, d1) -> (0, 0)>
#map1 = affine_map<(d0, d1) -> (0)>
#map2 = affine_map<(d0, d1) -> (0, 0, 0)>
module attributes {stable_mosaic.version = 14 : i64} {
  func.func @_sc_scatter(%arg0: i32, %arg1: i32, %arg2: memref<320000x128xf32, #tpu.memory_space<hbm>>, %arg3: memref<320000xi32, #tpu.memory_space<hbm>>, %arg4: memref<640x128xf32, #tpu.memory_space<hbm>>, %arg5: memref<2x10240x128xf32, #tpu.memory_space<hbm>>, %arg6: memref<200xi32, #tpu.memory_space<vmem>>, %arg7: memref<200x128xf32, #tpu.memory_space<vmem>>, %arg8: memref<10240x128xf32, #tpu.memory_space<vmem_shared>>) attributes {dimension_semantics = [#tpu.dimension_semantics<core_parallel>, #tpu.dimension_semantics<subcore_parallel>], iteration_bounds = array<i64: 2, 16>, scalar_prefetch = 0 : i64, scratch_operands = 3 : i64, tpu.core_type = #tpu.core_type<sc_vector_subcore>, window_params = [{transform_indices = #map}, {transform_indices = #map1}, {transform_indices = #map}, {transform_indices = #map2}]} {
    %mul3A = arith.constant 2 : i32
    %mul3A_0 = arith.muli %arg1, %mul3A : i32
    %add3A = arith.addi %mul3A_0, %arg0 : i32
    %mul3A_1 = arith.constant 10000 : i32
    %mul3A_2 = arith.muli %add3A, %mul3A_1 : i32
    %mul3A_3 = arith.constant 640 : i32
    %mul3A_4 = arith.muli %arg1, %mul3A_3 : i32
    "tpu.region"() ({
      %run_scoped3A = tpu.sem_alloc : memref<!tpu.dma_semaphore, #tpu.memory_space<semaphore_mem>>
      %dma_start3A = arith.constant 0 : i32
      %dma_start3A_17 = tpu.memref_slice %arg8[%mul3A_4, %dma_start3A] : memref<10240x128xf32, #tpu.memory_space<vmem_shared>> -> memref<640x128xf32, #tpu.memory_space<vmem_shared>>
      tpu.enqueue_dma source(%arg4 : memref<640x128xf32, #tpu.memory_space<hbm>>) target(%dma_start3A_17 : memref<640x128xf32, #tpu.memory_space<vmem_shared>>) target_semaphore(%run_scoped3A : memref<!tpu.dma_semaphore, #tpu.memory_space<semaphore_mem>>)
      %dma_wait3A = arith.constant 0 : i32
      %dma_wait3A_18 = tpu.memref_slice %arg8[%mul3A_4, %dma_wait3A] : memref<10240x128xf32, #tpu.memory_space<vmem_shared>> -> memref<640x128xf32, #tpu.memory_space<vmem_shared>>
      tpu.wait_dma2 semaphore(%run_scoped3A : memref<!tpu.dma_semaphore, #tpu.memory_space<semaphore_mem>>) src(%arg4 : memref<640x128xf32, #tpu.memory_space<hbm>>) dst(%dma_wait3A_18 : memref<640x128xf32, #tpu.memory_space<vmem_shared>>)
      tpu.yield
    }) : () -> ()
    %barrier3A = arith.constant 0 : index
    tpu.barrier barrier_id(%barrier3A)
    %scan3A = arith.constant 0 : i32
    %scan3A_5 = arith.constant 0 : i32
    %scan3A_6 = arith.constant 50 : i32
    %scan3A_7 = arith.addi %scan3A_5, %scan3A_6 : i32
    %scan3A_8 = arith.constant 1 : i32
    scf.for %scan3A_17 = %scan3A_5 to %scan3A_7 step %scan3A_8  : i32 {
      %mul3A_18 = arith.constant 200 : i32
      %mul3A_19 = arith.muli %scan3A_17, %mul3A_18 : i32
      %add3A_20 = arith.addi %mul3A_2, %mul3A_19 : i32
      "tpu.region"() ({
        %run_scoped3A = tpu.sem_alloc : memref<!tpu.dma_semaphore, #tpu.memory_space<semaphore_mem>>
        %dma_start3A = tpu.memref_slice %arg3[%add3A_20] : memref<320000xi32, #tpu.memory_space<hbm>> -> memref<200xi32, #tpu.memory_space<hbm>>
        %dma_start3A_21 = tpu.memref_slice %arg3[%add3A_20] : memref<320000xi32, #tpu.memory_space<hbm>> -> memref<200xi32, #tpu.memory_space<hbm>>
        tpu.enqueue_dma source(%dma_start3A_21 : memref<200xi32, #tpu.memory_space<hbm>>) target(%arg6 : memref<200xi32, #tpu.memory_space<vmem>>) target_semaphore(%run_scoped3A : memref<!tpu.dma_semaphore, #tpu.memory_space<semaphore_mem>>)
        %dma_wait3A = tpu.memref_slice %arg3[%add3A_20] : memref<320000xi32, #tpu.memory_space<hbm>> -> memref<200xi32, #tpu.memory_space<hbm>>
        %dma_wait3A_22 = tpu.memref_slice %arg3[%add3A_20] : memref<320000xi32, #tpu.memory_space<hbm>> -> memref<200xi32, #tpu.memory_space<hbm>>
        tpu.wait_dma2 semaphore(%run_scoped3A : memref<!tpu.dma_semaphore, #tpu.memory_space<semaphore_mem>>) src(%dma_wait3A_22 : memref<200xi32, #tpu.memory_space<hbm>>) dst(%arg6 : memref<200xi32, #tpu.memory_space<vmem>>)
        tpu.yield
      }) : () -> ()
      "tpu.region"() ({
        %run_scoped3A = tpu.sem_alloc : memref<!tpu.dma_semaphore, #tpu.memory_space<semaphore_mem>>
        %dma_start3A = arith.constant 0 : i32
        %dma_start3A_21 = tpu.memref_slice %arg2[%add3A_20, %dma_start3A] : memref<320000x128xf32, #tpu.memory_space<hbm>> -> memref<200x128xf32, #tpu.memory_space<hbm>>
        %dma_start3A_22 = arith.constant 0 : i32
        %dma_start3A_23 = tpu.memref_slice %arg2[%add3A_20, %dma_start3A_22] : memref<320000x128xf32, #tpu.memory_space<hbm>> -> memref<200x128xf32, #tpu.memory_space<hbm>>
        tpu.enqueue_dma source(%dma_start3A_23 : memref<200x128xf32, #tpu.memory_space<hbm>>) target(%arg7 : memref<200x128xf32, #tpu.memory_space<vmem>>) target_semaphore(%run_scoped3A : memref<!tpu.dma_semaphore, #tpu.memory_space<semaphore_mem>>)
        %dma_wait3A = arith.constant 0 : i32
        %dma_wait3A_24 = tpu.memref_slice %arg2[%add3A_20, %dma_wait3A] : memref<320000x128xf32, #tpu.memory_space<hbm>> -> memref<200x128xf32, #tpu.memory_space<hbm>>
        %dma_wait3A_25 = arith.constant 0 : i32
        %dma_wait3A_26 = tpu.memref_slice %arg2[%add3A_20, %dma_wait3A_25] : memref<320000x128xf32, #tpu.memory_space<hbm>> -> memref<200x128xf32, #tpu.memory_space<hbm>>
        tpu.wait_dma2 semaphore(%run_scoped3A : memref<!tpu.dma_semaphore, #tpu.memory_space<semaphore_mem>>) src(%dma_wait3A_26 : memref<200x128xf32, #tpu.memory_space<hbm>>) dst(%arg7 : memref<200x128xf32, #tpu.memory_space<vmem>>)
        tpu.yield
      }) : () -> ()
      "tpu.region"() ({
        %run_scoped3A = tpu.sem_alloc : memref<!tpu.dma_semaphore, #tpu.memory_space<semaphore_mem>>
        %dma_start3A = arith.constant 0 : i32
        %dma_start3A_21 = arith.constant 0 : i32
        %dma_start3A_22 = tpu.memref_slice %arg8[%dma_start3A, %dma_start3A_21] : memref<10240x128xf32, #tpu.memory_space<vmem_shared>> -> memref<10240x128xf32, #tpu.memory_space<vmem_shared>>
        tpu.enqueue_indirect_dma source(%arg7 : memref<200x128xf32, #tpu.memory_space<vmem>>) target(%dma_start3A_22 : memref<10240x128xf32, #tpu.memory_space<vmem_shared>>) offsets(%arg6 : memref<200xi32, #tpu.memory_space<vmem>>) semaphore(%run_scoped3A : memref<!tpu.dma_semaphore, #tpu.memory_space<semaphore_mem>>) {add = true}
        %dma_wait3A = arith.constant 0 : i32
        %dma_wait3A_23 = arith.constant 0 : i32
        %dma_wait3A_24 = tpu.memref_slice %arg8[%dma_wait3A, %dma_wait3A_23] : memref<10240x128xf32, #tpu.memory_space<vmem_shared>> -> memref<10240x128xf32, #tpu.memory_space<vmem_shared>>
        tpu.wait_indirect_dma semaphore(%run_scoped3A : memref<!tpu.dma_semaphore, #tpu.memory_space<semaphore_mem>>) src(%arg7 : memref<200x128xf32, #tpu.memory_space<vmem>>) dst(%dma_wait3A_24 : memref<10240x128xf32, #tpu.memory_space<vmem_shared>>)
        tpu.yield
      }) : () -> ()
    }
    %scan3A_9 = arith.constant 50 : i32
    %barrier3A_10 = arith.constant 0 : index
    tpu.barrier barrier_id(%barrier3A_10)
    %scan3A_11 = arith.constant 0 : i32
    %scan3A_12 = arith.constant 0 : i32
    %scan3A_13 = arith.constant 4 : i32
    %scan3A_14 = arith.addi %scan3A_12, %scan3A_13 : i32
    %scan3A_15 = arith.constant 1 : i32
    scf.for %scan3A_17 = %scan3A_12 to %scan3A_14 step %scan3A_15  : i32 {
      %mul3A_18 = arith.constant 640 : i32
      %mul3A_19 = arith.muli %arg1, %mul3A_18 : i32
      %mul3A_20 = arith.constant 160 : i32
      %mul3A_21 = arith.muli %scan3A_17, %mul3A_20 : i32
      %add3A_22 = arith.addi %mul3A_19, %mul3A_21 : i32
      "tpu.region"() ({
        %run_scoped3A = tpu.sem_alloc : memref<!tpu.dma_semaphore, #tpu.memory_space<semaphore_mem>>
        %dma_start3A = arith.constant 0 : i32
        %dma_start3A_23 = arith.constant 0 : i32
        %dma_start3A_24 = tpu.memref_slice %arg7[%dma_start3A, %dma_start3A_23] : memref<200x128xf32, #tpu.memory_space<vmem>> -> memref<160x128xf32, #tpu.memory_space<vmem>>
        %dma_start3A_25 = arith.constant 0 : i32
        %dma_start3A_26 = tpu.memref_slice %arg8[%add3A_22, %dma_start3A_25] : memref<10240x128xf32, #tpu.memory_space<vmem_shared>> -> memref<160x128xf32, #tpu.memory_space<vmem_shared>>
        %dma_start3A_27 = arith.constant 0 : i32
        %dma_start3A_28 = arith.constant 0 : i32
        %dma_start3A_29 = tpu.memref_slice %arg7[%dma_start3A_27, %dma_start3A_28] : memref<200x128xf32, #tpu.memory_space<vmem>> -> memref<160x128xf32, #tpu.memory_space<vmem>>
        %dma_start3A_30 = arith.constant 0 : i32
        %dma_start3A_31 = tpu.memref_slice %arg8[%add3A_22, %dma_start3A_30] : memref<10240x128xf32, #tpu.memory_space<vmem_shared>> -> memref<160x128xf32, #tpu.memory_space<vmem_shared>>
        tpu.enqueue_dma source(%dma_start3A_31 : memref<160x128xf32, #tpu.memory_space<vmem_shared>>) target(%dma_start3A_29 : memref<160x128xf32, #tpu.memory_space<vmem>>) target_semaphore(%run_scoped3A : memref<!tpu.dma_semaphore, #tpu.memory_space<semaphore_mem>>)
        %dma_wait3A = arith.constant 0 : i32
        %dma_wait3A_32 = arith.constant 0 : i32
        %dma_wait3A_33 = tpu.memref_slice %arg7[%dma_wait3A, %dma_wait3A_32] : memref<200x128xf32, #tpu.memory_space<vmem>> -> memref<160x128xf32, #tpu.memory_space<vmem>>
        %dma_wait3A_34 = arith.constant 0 : i32
        %dma_wait3A_35 = tpu.memref_slice %arg8[%add3A_22, %dma_wait3A_34] : memref<10240x128xf32, #tpu.memory_space<vmem_shared>> -> memref<160x128xf32, #tpu.memory_space<vmem_shared>>
        %dma_wait3A_36 = arith.constant 0 : i32
        %dma_wait3A_37 = arith.constant 0 : i32
        %dma_wait3A_38 = tpu.memref_slice %arg7[%dma_wait3A_36, %dma_wait3A_37] : memref<200x128xf32, #tpu.memory_space<vmem>> -> memref<160x128xf32, #tpu.memory_space<vmem>>
        %dma_wait3A_39 = arith.constant 0 : i32
        %dma_wait3A_40 = tpu.memref_slice %arg8[%add3A_22, %dma_wait3A_39] : memref<10240x128xf32, #tpu.memory_space<vmem_shared>> -> memref<160x128xf32, #tpu.memory_space<vmem_shared>>
        tpu.wait_dma2 semaphore(%run_scoped3A : memref<!tpu.dma_semaphore, #tpu.memory_space<semaphore_mem>>) src(%dma_wait3A_40 : memref<160x128xf32, #tpu.memory_space<vmem_shared>>) dst(%dma_wait3A_38 : memref<160x128xf32, #tpu.memory_space<vmem>>)
        tpu.yield
      }) : () -> ()
      "tpu.region"() ({
        %run_scoped3A = tpu.sem_alloc : memref<!tpu.dma_semaphore, #tpu.memory_space<semaphore_mem>>
        %dma_start3A = arith.constant 0 : i32
        %dma_start3A_23 = arith.constant 0 : i32
        %dma_start3A_24 = tpu.memref_slice %arg7[%dma_start3A, %dma_start3A_23] : memref<200x128xf32, #tpu.memory_space<vmem>> -> memref<160x128xf32, #tpu.memory_space<vmem>>
        %dma_start3A_25 = arith.constant 0 : i32
        %dma_start3A_26 = tpu.memref_slice %arg5[%arg0, %add3A_22, %dma_start3A_25] : memref<2x10240x128xf32, #tpu.memory_space<hbm>> -> memref<1x160x128xf32, #tpu.memory_space<hbm>>
        %dma_start3A_27 = tpu.memref_squeeze %dma_start3A_26 : memref<1x160x128xf32, #tpu.memory_space<hbm>> -> memref<160x128xf32, #tpu.memory_space<hbm>>
        %dma_start3A_28 = arith.constant 0 : i32
        %dma_start3A_29 = tpu.memref_slice %arg5[%arg0, %add3A_22, %dma_start3A_28] : memref<2x10240x128xf32, #tpu.memory_space<hbm>> -> memref<1x160x128xf32, #tpu.memory_space<hbm>>
        %dma_start3A_30 = tpu.memref_squeeze %dma_start3A_29 : memref<1x160x128xf32, #tpu.memory_space<hbm>> -> memref<160x128xf32, #tpu.memory_space<hbm>>
        %dma_start3A_31 = arith.constant 0 : i32
        %dma_start3A_32 = arith.constant 0 : i32
        %dma_start3A_33 = tpu.memref_slice %arg7[%dma_start3A_31, %dma_start3A_32] : memref<200x128xf32, #tpu.memory_space<vmem>> -> memref<160x128xf32, #tpu.memory_space<vmem>>
        tpu.enqueue_dma source(%dma_start3A_33 : memref<160x128xf32, #tpu.memory_space<vmem>>) target(%dma_start3A_30 : memref<160x128xf32, #tpu.memory_space<hbm>>) target_semaphore(%run_scoped3A : memref<!tpu.dma_semaphore, #tpu.memory_space<semaphore_mem>>)
        %dma_wait3A = arith.constant 0 : i32
        %dma_wait3A_34 = arith.constant 0 : i32
        %dma_wait3A_35 = tpu.memref_slice %arg7[%dma_wait3A, %dma_wait3A_34] : memref<200x128xf32, #tpu.memory_space<vmem>> -> memref<160x128xf32, #tpu.memory_space<vmem>>
        %dma_wait3A_36 = arith.constant 0 : i32
        %dma_wait3A_37 = tpu.memref_slice %arg5[%arg0, %add3A_22, %dma_wait3A_36] : memref<2x10240x128xf32, #tpu.memory_space<hbm>> -> memref<1x160x128xf32, #tpu.memory_space<hbm>>
        %dma_wait3A_38 = tpu.memref_squeeze %dma_wait3A_37 : memref<1x160x128xf32, #tpu.memory_space<hbm>> -> memref<160x128xf32, #tpu.memory_space<hbm>>
        %dma_wait3A_39 = arith.constant 0 : i32
        %dma_wait3A_40 = tpu.memref_slice %arg5[%arg0, %add3A_22, %dma_wait3A_39] : memref<2x10240x128xf32, #tpu.memory_space<hbm>> -> memref<1x160x128xf32, #tpu.memory_space<hbm>>
        %dma_wait3A_41 = tpu.memref_squeeze %dma_wait3A_40 : memref<1x160x128xf32, #tpu.memory_space<hbm>> -> memref<160x128xf32, #tpu.memory_space<hbm>>
        %dma_wait3A_42 = arith.constant 0 : i32
        %dma_wait3A_43 = arith.constant 0 : i32
        %dma_wait3A_44 = tpu.memref_slice %arg7[%dma_wait3A_42, %dma_wait3A_43] : memref<200x128xf32, #tpu.memory_space<vmem>> -> memref<160x128xf32, #tpu.memory_space<vmem>>
        tpu.wait_dma2 semaphore(%run_scoped3A : memref<!tpu.dma_semaphore, #tpu.memory_space<semaphore_mem>>) src(%dma_wait3A_44 : memref<160x128xf32, #tpu.memory_space<vmem>>) dst(%dma_wait3A_41 : memref<160x128xf32, #tpu.memory_space<hbm>>)
        tpu.yield
      }) : () -> ()
    }
    %scan3A_16 = arith.constant 4 : i32
    return
  }
}

#map = affine_map<(d0, d1) -> (0, 0)>
#map1 = affine_map<(d0, d1) -> (0)>
module attributes {stable_mosaic.version = 14 : i64} {
  func.func @_sc_gather(%arg0: i32, %arg1: i32, %arg2: memref<10000x128xf32, #tpu.memory_space<hbm>>, %arg3: memref<40000xf32, #tpu.memory_space<hbm>>, %arg4: memref<320000xi32, #tpu.memory_space<hbm>>, %arg5: memref<320000xi32, #tpu.memory_space<hbm>>, %arg6: memref<320000x128xf32, #tpu.memory_space<hbm>>, %arg7: memref<320000x128xf32, #tpu.memory_space<hbm>>, %arg8: memref<320000xf32, #tpu.memory_space<hbm>>, %arg9: memref<400xi32, #tpu.memory_space<vmem>>, %arg10: memref<400xi32, #tpu.memory_space<vmem>>, %arg11: memref<400x128xf32, #tpu.memory_space<vmem>>, %arg12: memref<400xf32, #tpu.memory_space<vmem>>, %arg13: memref<40000xf32, #tpu.memory_space<vmem>>, %arg14: memref<!tpu.dma_semaphore, #tpu.memory_space<semaphore_mem>>) attributes {dimension_semantics = [#tpu.dimension_semantics<core_parallel>, #tpu.dimension_semantics<subcore_parallel>], iteration_bounds = array<i64: 2, 16>, scalar_prefetch = 0 : i64, scratch_operands = 6 : i64, tpu.core_type = #tpu.core_type<sc_vector_subcore>, window_params = [{transform_indices = #map}, {transform_indices = #map1}, {transform_indices = #map1}, {transform_indices = #map1}, {transform_indices = #map}, {transform_indices = #map}, {transform_indices = #map1}]} {
    %mul3A = arith.constant 2 : i32
    %mul3A_0 = arith.muli %arg1, %mul3A : i32
    %add3A = arith.addi %mul3A_0, %arg0 : i32
    %mul3A_1 = arith.constant 10000 : i32
    %mul3A_2 = arith.muli %add3A, %mul3A_1 : i32
    "tpu.region"() ({
      %run_scoped3A = tpu.sem_alloc : memref<!tpu.dma_semaphore, #tpu.memory_space<semaphore_mem>>
      tpu.enqueue_dma source(%arg3 : memref<40000xf32, #tpu.memory_space<hbm>>) target(%arg13 : memref<40000xf32, #tpu.memory_space<vmem>>) target_semaphore(%run_scoped3A : memref<!tpu.dma_semaphore, #tpu.memory_space<semaphore_mem>>)
      tpu.wait_dma2 semaphore(%run_scoped3A : memref<!tpu.dma_semaphore, #tpu.memory_space<semaphore_mem>>) src(%arg3 : memref<40000xf32, #tpu.memory_space<hbm>>) dst(%arg13 : memref<40000xf32, #tpu.memory_space<vmem>>)
      tpu.yield
    }) : () -> ()
    %scan3A = arith.constant 0 : i32
    %scan3A_3 = arith.constant 0 : i32
    %scan3A_4 = arith.constant 25 : i32
    %scan3A_5 = arith.addi %scan3A_3, %scan3A_4 : i32
    %scan3A_6 = arith.constant 1 : i32
    scf.for %scan3A_8 = %scan3A_3 to %scan3A_5 step %scan3A_6  : i32 {
      %mul3A_9 = arith.constant 400 : i32
      %mul3A_10 = arith.muli %scan3A_8, %mul3A_9 : i32
      %add3A_11 = arith.addi %mul3A_2, %mul3A_10 : i32
      "tpu.region"() ({
        %run_scoped3A = tpu.sem_alloc : memref<!tpu.dma_semaphore, #tpu.memory_space<semaphore_mem>>
        %dma_start3A_28 = tpu.memref_slice %arg4[%add3A_11] : memref<320000xi32, #tpu.memory_space<hbm>> -> memref<400xi32, #tpu.memory_space<hbm>>
        %dma_start3A_29 = tpu.memref_slice %arg4[%add3A_11] : memref<320000xi32, #tpu.memory_space<hbm>> -> memref<400xi32, #tpu.memory_space<hbm>>
        tpu.enqueue_dma source(%dma_start3A_29 : memref<400xi32, #tpu.memory_space<hbm>>) target(%arg9 : memref<400xi32, #tpu.memory_space<vmem>>) target_semaphore(%run_scoped3A : memref<!tpu.dma_semaphore, #tpu.memory_space<semaphore_mem>>)
        %dma_wait3A_30 = tpu.memref_slice %arg4[%add3A_11] : memref<320000xi32, #tpu.memory_space<hbm>> -> memref<400xi32, #tpu.memory_space<hbm>>
        %dma_wait3A_31 = tpu.memref_slice %arg4[%add3A_11] : memref<320000xi32, #tpu.memory_space<hbm>> -> memref<400xi32, #tpu.memory_space<hbm>>
        tpu.wait_dma2 semaphore(%run_scoped3A : memref<!tpu.dma_semaphore, #tpu.memory_space<semaphore_mem>>) src(%dma_wait3A_31 : memref<400xi32, #tpu.memory_space<hbm>>) dst(%arg9 : memref<400xi32, #tpu.memory_space<vmem>>)
        tpu.yield
      }) : () -> ()
      "tpu.region"() ({
        %run_scoped3A = tpu.sem_alloc : memref<!tpu.dma_semaphore, #tpu.memory_space<semaphore_mem>>
        %dma_start3A_28 = tpu.memref_slice %arg5[%add3A_11] : memref<320000xi32, #tpu.memory_space<hbm>> -> memref<400xi32, #tpu.memory_space<hbm>>
        %dma_start3A_29 = tpu.memref_slice %arg5[%add3A_11] : memref<320000xi32, #tpu.memory_space<hbm>> -> memref<400xi32, #tpu.memory_space<hbm>>
        tpu.enqueue_dma source(%dma_start3A_29 : memref<400xi32, #tpu.memory_space<hbm>>) target(%arg10 : memref<400xi32, #tpu.memory_space<vmem>>) target_semaphore(%run_scoped3A : memref<!tpu.dma_semaphore, #tpu.memory_space<semaphore_mem>>)
        %dma_wait3A_30 = tpu.memref_slice %arg5[%add3A_11] : memref<320000xi32, #tpu.memory_space<hbm>> -> memref<400xi32, #tpu.memory_space<hbm>>
        %dma_wait3A_31 = tpu.memref_slice %arg5[%add3A_11] : memref<320000xi32, #tpu.memory_space<hbm>> -> memref<400xi32, #tpu.memory_space<hbm>>
        tpu.wait_dma2 semaphore(%run_scoped3A : memref<!tpu.dma_semaphore, #tpu.memory_space<semaphore_mem>>) src(%dma_wait3A_31 : memref<400xi32, #tpu.memory_space<hbm>>) dst(%arg10 : memref<400xi32, #tpu.memory_space<vmem>>)
        tpu.yield
      }) : () -> ()
      %dma_start3A = arith.constant 0 : i32
      %dma_start3A_12 = arith.constant 0 : i32
      %dma_start3A_13 = tpu.memref_slice %arg2[%dma_start3A, %dma_start3A_12] : memref<10000x128xf32, #tpu.memory_space<hbm>> -> memref<10000x128xf32, #tpu.memory_space<hbm>>
      tpu.enqueue_indirect_dma source(%dma_start3A_13 : memref<10000x128xf32, #tpu.memory_space<hbm>>) target(%arg11 : memref<400x128xf32, #tpu.memory_space<vmem>>) offsets(%arg9 : memref<400xi32, #tpu.memory_space<vmem>>) semaphore(%arg14 : memref<!tpu.dma_semaphore, #tpu.memory_space<semaphore_mem>>)
      %dma_wait3A = arith.constant 0 : i32
      %dma_wait3A_14 = arith.constant 0 : i32
      %dma_wait3A_15 = tpu.memref_slice %arg2[%dma_wait3A, %dma_wait3A_14] : memref<10000x128xf32, #tpu.memory_space<hbm>> -> memref<10000x128xf32, #tpu.memory_space<hbm>>
      tpu.wait_indirect_dma semaphore(%arg14 : memref<!tpu.dma_semaphore, #tpu.memory_space<semaphore_mem>>) src(%dma_wait3A_15 : memref<10000x128xf32, #tpu.memory_space<hbm>>) dst(%arg11 : memref<400x128xf32, #tpu.memory_space<vmem>>)
      "tpu.region"() ({
        %run_scoped3A = tpu.sem_alloc : memref<!tpu.dma_semaphore, #tpu.memory_space<semaphore_mem>>
        %dma_start3A_28 = arith.constant 0 : i32
        %dma_start3A_29 = tpu.memref_slice %arg6[%add3A_11, %dma_start3A_28] : memref<320000x128xf32, #tpu.memory_space<hbm>> -> memref<400x128xf32, #tpu.memory_space<hbm>>
        %dma_start3A_30 = arith.constant 0 : i32
        %dma_start3A_31 = tpu.memref_slice %arg6[%add3A_11, %dma_start3A_30] : memref<320000x128xf32, #tpu.memory_space<hbm>> -> memref<400x128xf32, #tpu.memory_space<hbm>>
        tpu.enqueue_dma source(%arg11 : memref<400x128xf32, #tpu.memory_space<vmem>>) target(%dma_start3A_31 : memref<400x128xf32, #tpu.memory_space<hbm>>) target_semaphore(%run_scoped3A : memref<!tpu.dma_semaphore, #tpu.memory_space<semaphore_mem>>)
        %dma_wait3A_32 = arith.constant 0 : i32
        %dma_wait3A_33 = tpu.memref_slice %arg6[%add3A_11, %dma_wait3A_32] : memref<320000x128xf32, #tpu.memory_space<hbm>> -> memref<400x128xf32, #tpu.memory_space<hbm>>
        %dma_wait3A_34 = arith.constant 0 : i32
        %dma_wait3A_35 = tpu.memref_slice %arg6[%add3A_11, %dma_wait3A_34] : memref<320000x128xf32, #tpu.memory_space<hbm>> -> memref<400x128xf32, #tpu.memory_space<hbm>>
        tpu.wait_dma2 semaphore(%run_scoped3A : memref<!tpu.dma_semaphore, #tpu.memory_space<semaphore_mem>>) src(%arg11 : memref<400x128xf32, #tpu.memory_space<vmem>>) dst(%dma_wait3A_35 : memref<400x128xf32, #tpu.memory_space<hbm>>)
        tpu.yield
      }) : () -> ()
      %dma_start3A_16 = arith.constant 0 : i32
      %dma_start3A_17 = arith.constant 0 : i32
      %dma_start3A_18 = tpu.memref_slice %arg2[%dma_start3A_16, %dma_start3A_17] : memref<10000x128xf32, #tpu.memory_space<hbm>> -> memref<10000x128xf32, #tpu.memory_space<hbm>>
      tpu.enqueue_indirect_dma source(%dma_start3A_18 : memref<10000x128xf32, #tpu.memory_space<hbm>>) target(%arg11 : memref<400x128xf32, #tpu.memory_space<vmem>>) offsets(%arg10 : memref<400xi32, #tpu.memory_space<vmem>>) semaphore(%arg14 : memref<!tpu.dma_semaphore, #tpu.memory_space<semaphore_mem>>)
      %dma_wait3A_19 = arith.constant 0 : i32
      %dma_wait3A_20 = arith.constant 0 : i32
      %dma_wait3A_21 = tpu.memref_slice %arg2[%dma_wait3A_19, %dma_wait3A_20] : memref<10000x128xf32, #tpu.memory_space<hbm>> -> memref<10000x128xf32, #tpu.memory_space<hbm>>
      tpu.wait_indirect_dma semaphore(%arg14 : memref<!tpu.dma_semaphore, #tpu.memory_space<semaphore_mem>>) src(%dma_wait3A_21 : memref<10000x128xf32, #tpu.memory_space<hbm>>) dst(%arg11 : memref<400x128xf32, #tpu.memory_space<vmem>>)
      "tpu.region"() ({
        %run_scoped3A = tpu.sem_alloc : memref<!tpu.dma_semaphore, #tpu.memory_space<semaphore_mem>>
        %dma_start3A_28 = arith.constant 0 : i32
        %dma_start3A_29 = tpu.memref_slice %arg7[%add3A_11, %dma_start3A_28] : memref<320000x128xf32, #tpu.memory_space<hbm>> -> memref<400x128xf32, #tpu.memory_space<hbm>>
        %dma_start3A_30 = arith.constant 0 : i32
        %dma_start3A_31 = tpu.memref_slice %arg7[%add3A_11, %dma_start3A_30] : memref<320000x128xf32, #tpu.memory_space<hbm>> -> memref<400x128xf32, #tpu.memory_space<hbm>>
        tpu.enqueue_dma source(%arg11 : memref<400x128xf32, #tpu.memory_space<vmem>>) target(%dma_start3A_31 : memref<400x128xf32, #tpu.memory_space<hbm>>) target_semaphore(%run_scoped3A : memref<!tpu.dma_semaphore, #tpu.memory_space<semaphore_mem>>)
        %dma_wait3A_32 = arith.constant 0 : i32
        %dma_wait3A_33 = tpu.memref_slice %arg7[%add3A_11, %dma_wait3A_32] : memref<320000x128xf32, #tpu.memory_space<hbm>> -> memref<400x128xf32, #tpu.memory_space<hbm>>
        %dma_wait3A_34 = arith.constant 0 : i32
        %dma_wait3A_35 = tpu.memref_slice %arg7[%add3A_11, %dma_wait3A_34] : memref<320000x128xf32, #tpu.memory_space<hbm>> -> memref<400x128xf32, #tpu.memory_space<hbm>>
        tpu.wait_dma2 semaphore(%run_scoped3A : memref<!tpu.dma_semaphore, #tpu.memory_space<semaphore_mem>>) src(%arg11 : memref<400x128xf32, #tpu.memory_space<vmem>>) dst(%dma_wait3A_35 : memref<400x128xf32, #tpu.memory_space<hbm>>)
        tpu.yield
      }) : () -> ()
      %scan3A_22 = arith.constant 0 : i32
      %scan3A_23 = arith.constant 0 : i32
      %scan3A_24 = arith.constant 25 : i32
      %scan3A_25 = arith.addi %scan3A_23, %scan3A_24 : i32
      %scan3A_26 = arith.constant 1 : i32
      scf.for %scan3A_28 = %scan3A_23 to %scan3A_25 step %scan3A_26  : i32 {
        %mul3A_29 = arith.constant 16 : i32
        %mul3A_30 = arith.muli %scan3A_28, %mul3A_29 : i32
        %get3A = arith.index_cast %mul3A_30 : i32 to index
        %get3A_31 = tpu.vector_load %arg9[%get3A] {strides = array<i32>} : memref<400xi32, #tpu.memory_space<vmem>>, vector<16xi32>,
        %mul3A_32 = arith.constant 4 : i32
        %mul3A_33 = vector.broadcast %mul3A_32 : i32 to vector<16xi32>
        %mul3A_34 = arith.muli %get3A_31, %mul3A_33 : vector<16xi32>
        %mul3A_35 = arith.constant 16 : i32
        %mul3A_36 = arith.muli %scan3A_28, %mul3A_35 : i32
        %get3A_37 = arith.index_cast %mul3A_36 : i32 to index
        %get3A_38 = tpu.vector_load %arg10[%get3A_37] {strides = array<i32>} : memref<400xi32, #tpu.memory_space<vmem>>, vector<16xi32>,
        %mul3A_39 = arith.constant 4 : i32
        %mul3A_40 = vector.broadcast %mul3A_39 : i32 to vector<16xi32>
        %mul3A_41 = arith.muli %get3A_38, %mul3A_40 : vector<16xi32>
        %broadcast_in_dim3A = arith.constant 0.000000e+00 : f32
        %broadcast_in_dim3A_42 = vector.broadcast %broadcast_in_dim3A : f32 to vector<16xf32>
        %add3A_43 = arith.constant 0 : i32
        %add3A_44 = vector.broadcast %add3A_43 : i32 to vector<16xi32>
        %add3A_45 = arith.addi %mul3A_34, %add3A_44 : vector<16xi32>
        %gather3A = tpu.vector_load_idx %arg13[%add3A_45] : memref<40000xf32, #tpu.memory_space<vmem>>[vector<16xi32>], vector<16xf32>,
        %add3A_46 = arith.constant 0 : i32
        %add3A_47 = vector.broadcast %add3A_46 : i32 to vector<16xi32>
        %add3A_48 = arith.addi %mul3A_41, %add3A_47 : vector<16xi32>
        %gather3A_49 = tpu.vector_load_idx %arg13[%add3A_48] : memref<40000xf32, #tpu.memory_space<vmem>>[vector<16xi32>], vector<16xf32>,
        %sub3A = arith.subf %gather3A, %gather3A_49 : vector<16xf32>
        %mul3A_50 = arith.mulf %sub3A, %sub3A : vector<16xf32>
        %add3A_51 = arith.addf %broadcast_in_dim3A_42, %mul3A_50 : vector<16xf32>
        %add3A_52 = arith.constant 1 : i32
        %add3A_53 = vector.broadcast %add3A_52 : i32 to vector<16xi32>
        %add3A_54 = arith.addi %mul3A_34, %add3A_53 : vector<16xi32>
        %gather3A_55 = tpu.vector_load_idx %arg13[%add3A_54] : memref<40000xf32, #tpu.memory_space<vmem>>[vector<16xi32>], vector<16xf32>,
        %add3A_56 = arith.constant 1 : i32
        %add3A_57 = vector.broadcast %add3A_56 : i32 to vector<16xi32>
        %add3A_58 = arith.addi %mul3A_41, %add3A_57 : vector<16xi32>
        %gather3A_59 = tpu.vector_load_idx %arg13[%add3A_58] : memref<40000xf32, #tpu.memory_space<vmem>>[vector<16xi32>], vector<16xf32>,
        %sub3A_60 = arith.subf %gather3A_55, %gather3A_59 : vector<16xf32>
        %mul3A_61 = arith.mulf %sub3A_60, %sub3A_60 : vector<16xf32>
        %add3A_62 = arith.addf %add3A_51, %mul3A_61 : vector<16xf32>
        %add3A_63 = arith.constant 2 : i32
        %add3A_64 = vector.broadcast %add3A_63 : i32 to vector<16xi32>
        %add3A_65 = arith.addi %mul3A_34, %add3A_64 : vector<16xi32>
        %gather3A_66 = tpu.vector_load_idx %arg13[%add3A_65] : memref<40000xf32, #tpu.memory_space<vmem>>[vector<16xi32>], vector<16xf32>,
        %add3A_67 = arith.constant 2 : i32
        %add3A_68 = vector.broadcast %add3A_67 : i32 to vector<16xi32>
        %add3A_69 = arith.addi %mul3A_41, %add3A_68 : vector<16xi32>
        %gather3A_70 = tpu.vector_load_idx %arg13[%add3A_69] : memref<40000xf32, #tpu.memory_space<vmem>>[vector<16xi32>], vector<16xf32>,
        %sub3A_71 = arith.subf %gather3A_66, %gather3A_70 : vector<16xf32>
        %mul3A_72 = arith.mulf %sub3A_71, %sub3A_71 : vector<16xf32>
        %add3A_73 = arith.addf %add3A_62, %mul3A_72 : vector<16xf32>
        %mul3A_74 = arith.constant 16 : i32
        %mul3A_75 = arith.muli %scan3A_28, %mul3A_74 : i32
        %swap3A = arith.index_cast %mul3A_75 : i32 to index
        %swap3A_76 = tpu.vector_load %arg12[%swap3A] {strides = array<i32>} : memref<400xf32, #tpu.memory_space<vmem>>, vector<16xf32>,
        tpu.vector_store %arg12[%swap3A], %add3A_73 {strides = array<i32>} : memref<400xf32, #tpu.memory_space<vmem>>, vector<16xf32>,
      }
      %scan3A_27 = arith.constant 25 : i32
      "tpu.region"() ({
        %run_scoped3A = tpu.sem_alloc : memref<!tpu.dma_semaphore, #tpu.memory_space<semaphore_mem>>
        %dma_start3A_28 = tpu.memref_slice %arg8[%add3A_11] : memref<320000xf32, #tpu.memory_space<hbm>> -> memref<400xf32, #tpu.memory_space<hbm>>
        %dma_start3A_29 = tpu.memref_slice %arg8[%add3A_11] : memref<320000xf32, #tpu.memory_space<hbm>> -> memref<400xf32, #tpu.memory_space<hbm>>
        tpu.enqueue_dma source(%arg12 : memref<400xf32, #tpu.memory_space<vmem>>) target(%dma_start3A_29 : memref<400xf32, #tpu.memory_space<hbm>>) target_semaphore(%run_scoped3A : memref<!tpu.dma_semaphore, #tpu.memory_space<semaphore_mem>>)
        %dma_wait3A_30 = tpu.memref_slice %arg8[%add3A_11] : memref<320000xf32, #tpu.memory_space<hbm>> -> memref<400xf32, #tpu.memory_space<hbm>>
        %dma_wait3A_31 = tpu.memref_slice %arg8[%add3A_11] : memref<320000xf32, #tpu.memory_space<hbm>> -> memref<400xf32, #tpu.memory_space<hbm>>
        tpu.wait_dma2 semaphore(%run_scoped3A : memref<!tpu.dma_semaphore, #tpu.memory_space<semaphore_mem>>) src(%arg12 : memref<400xf32, #tpu.memory_space<vmem>>) dst(%dma_wait3A_31 : memref<400xf32, #tpu.memory_space<hbm>>)
        tpu.yield
      }) : () -> ()
    }
    %scan3A_7 = arith.constant 25 : i32
    return
  }
}

module attributes {stable_mosaic.version = 14 : i64} {
  func.func @_edge_mlp_body(%arg0: i32, %arg1: memref<2000x128xf32, #tpu.memory_space<vmem>>, %arg2: memref<2000x128xf32, #tpu.memory_space<vmem>>, %arg3: memref<2000x1xf32, #tpu.memory_space<vmem>>, %arg4: memref<2000x16xf32, #tpu.memory_space<vmem>>, %arg5: memref<128x128xf32, #tpu.memory_space<vmem>>, %arg6: memref<128x128xf32, #tpu.memory_space<vmem>>, %arg7: memref<1x128xf32, #tpu.memory_space<vmem>>, %arg8: memref<16x128xf32, #tpu.memory_space<vmem>>, %arg9: memref<1x128xf32, #tpu.memory_space<vmem>>, %arg10: memref<128x128xf32, #tpu.memory_space<vmem>>, %arg11: memref<1x128xf32, #tpu.memory_space<vmem>>, %arg12: memref<2000x128xf32, #tpu.memory_space<vmem>>) attributes {dimension_semantics = [#tpu.dimension_semantics<arbitrary>], iteration_bounds = array<i64: 160>, scalar_prefetch = 0 : i64, scratch_operands = 0 : i64, tpu.core_type = #tpu.core_type<tc>, window_params = [{transform_indices = @transform_0, window_bounds = array<i64: 2000, 128>}, {transform_indices = @transform_1, window_bounds = array<i64: 2000, 128>}, {transform_indices = @transform_2, window_bounds = array<i64: 2000, 1>}, {transform_indices = @transform_3, window_bounds = array<i64: 2000, 16>}, {pipeline_mode = #tpu.pipeline_mode<synchronous>, transform_indices = @transform_4, window_bounds = array<i64: 128, 128>}, {pipeline_mode = #tpu.pipeline_mode<synchronous>, transform_indices = @transform_5, window_bounds = array<i64: 128, 128>}, {pipeline_mode = #tpu.pipeline_mode<synchronous>, transform_indices = @transform_6, window_bounds = array<i64: 1, 128>}, {pipeline_mode = #tpu.pipeline_mode<synchronous>, transform_indices = @transform_7, window_bounds = array<i64: 16, 128>}, {pipeline_mode = #tpu.pipeline_mode<synchronous>, transform_indices = @transform_8, window_bounds = array<i64: 1, 128>}, {pipeline_mode = #tpu.pipeline_mode<synchronous>, transform_indices = @transform_9, window_bounds = array<i64: 128, 128>}, {pipeline_mode = #tpu.pipeline_mode<synchronous>, transform_indices = @transform_10, window_bounds = array<i64: 1, 128>}, {transform_indices = @transform_11, window_bounds = array<i64: 2000, 128>}]} {
    %get3A = arith.constant 0 : index
    %get3A_0 = arith.constant 0 : index
    %get3A_1 = vector.load %arg3[%get3A, %get3A_0] : memref<2000x1xf32, #tpu.memory_space<vmem>>, vector<2000x1xf32>
    %get3A_2 = arith.constant 0 : index
    %get3A_3 = arith.constant 0 : index
    %get3A_4 = vector.load %arg1[%get3A_2, %get3A_3] : memref<2000x128xf32, #tpu.memory_space<vmem>>, vector<2000x128xf32>
    %get3A_5 = arith.constant 0 : index
    %get3A_6 = arith.constant 0 : index
    %get3A_7 = vector.load %arg5[%get3A_5, %get3A_6] : memref<128x128xf32, #tpu.memory_space<vmem>>, vector<128x128xf32>
    %dot_general3A = arith.constant dense<0.000000e+00> : vector<2000x128xf32>
    %dot_general3A_8 = tpu.matmul %get3A_4, %get3A_7, %dot_general3A {dimension_numbers = #tpu.dot_dimension_numbers<[1], [0], [0], [1], [0, 0, 1, 1], [], []>, transpose_lhs_hint = false} : vector<2000x128xf32>, vector<128x128xf32>, vector<2000x128xf32> -> vector<2000x128xf32>
    %get3A_9 = arith.constant 0 : index
    %get3A_10 = arith.constant 0 : index
    %get3A_11 = vector.load %arg2[%get3A_9, %get3A_10] : memref<2000x128xf32, #tpu.memory_space<vmem>>, vector<2000x128xf32>
    %get3A_12 = arith.constant 0 : index
    %get3A_13 = arith.constant 0 : index
    %get3A_14 = vector.load %arg6[%get3A_12, %get3A_13] : memref<128x128xf32, #tpu.memory_space<vmem>>, vector<128x128xf32>
    %dot_general3A_15 = arith.constant dense<0.000000e+00> : vector<2000x128xf32>
    %dot_general3A_16 = tpu.matmul %get3A_11, %get3A_14, %dot_general3A_15 {dimension_numbers = #tpu.dot_dimension_numbers<[1], [0], [0], [1], [0, 0, 1, 1], [], []>, transpose_lhs_hint = false} : vector<2000x128xf32>, vector<128x128xf32>, vector<2000x128xf32> -> vector<2000x128xf32>
    %add3A = arith.addf %dot_general3A_8, %dot_general3A_16 : vector<2000x128xf32>
    %get3A_17 = arith.constant 0 : index
    %get3A_18 = arith.constant 0 : index
    %get3A_19 = vector.load %arg4[%get3A_17, %get3A_18] : memref<2000x16xf32, #tpu.memory_space<vmem>>, vector<2000x16xf32>
    %get3A_20 = arith.constant 0 : index
    %get3A_21 = arith.constant 0 : index
    %get3A_22 = vector.load %arg8[%get3A_20, %get3A_21] : memref<16x128xf32, #tpu.memory_space<vmem>>, vector<16x128xf32>
    %dot_general3A_23 = arith.constant dense<0.000000e+00> : vector<2000x128xf32>
    %dot_general3A_24 = tpu.matmul %get3A_19, %get3A_22, %dot_general3A_23 {dimension_numbers = #tpu.dot_dimension_numbers<[1], [0], [0], [1], [0, 0, 1, 1], [], []>, transpose_lhs_hint = false} : vector<2000x16xf32>, vector<16x128xf32>, vector<2000x128xf32> -> vector<2000x128xf32>
    %add3A_25 = arith.addf %add3A, %dot_general3A_24 : vector<2000x128xf32>
    %get3A_26 = arith.constant 0 : index
    %get3A_27 = arith.constant 0 : index
    %get3A_28 = vector.load %arg7[%get3A_26, %get3A_27] : memref<1x128xf32, #tpu.memory_space<vmem>>, vector<1x128xf32>
    %mul3A = vector.broadcast %get3A_1 : vector<2000x1xf32> to vector<2000x128xf32>
    %mul3A_29 = vector.broadcast %get3A_28 : vector<1x128xf32> to vector<2000x128xf32>
    %mul3A_30 = arith.mulf %mul3A, %mul3A_29 : vector<2000x128xf32>
    %add3A_31 = arith.addf %add3A_25, %mul3A_30 : vector<2000x128xf32>
    %get3A_32 = arith.constant 0 : index
    %get3A_33 = arith.constant 0 : index
    %get3A_34 = vector.load %arg9[%get3A_32, %get3A_33] : memref<1x128xf32, #tpu.memory_space<vmem>>, vector<1x128xf32>
    %add3A_35 = vector.broadcast %get3A_34 : vector<1x128xf32> to vector<2000x128xf32>
    %add3A_36 = arith.addf %add3A_31, %add3A_35 : vector<2000x128xf32>
    %logistic3A = arith.negf %add3A_36 : vector<2000x128xf32>
    %logistic3A_37 = math.exp %logistic3A : vector<2000x128xf32>
    %logistic3A_38 = arith.constant 1.000000e+00 : f32
    %logistic3A_39 = vector.broadcast %logistic3A_38 : f32 to vector<2000x128xf32>
    %logistic3A_40 = arith.addf %logistic3A_39, %logistic3A_37 : vector<2000x128xf32>
    %logistic3A_41 = arith.divf %logistic3A_39, %logistic3A_40 : vector<2000x128xf32>
    %mul3A_42 = arith.mulf %add3A_36, %logistic3A_41 : vector<2000x128xf32>
    %get3A_43 = arith.constant 0 : index
    %get3A_44 = arith.constant 0 : index
    %get3A_45 = vector.load %arg10[%get3A_43, %get3A_44] : memref<128x128xf32, #tpu.memory_space<vmem>>, vector<128x128xf32>
    %dot_general3A_46 = arith.constant dense<0.000000e+00> : vector<2000x128xf32>
    %dot_general3A_47 = tpu.matmul %mul3A_42, %get3A_45, %dot_general3A_46 {dimension_numbers = #tpu.dot_dimension_numbers<[1], [0], [0], [1], [0, 0, 1, 1], [], []>, transpose_lhs_hint = false} : vector<2000x128xf32>, vector<128x128xf32>, vector<2000x128xf32> -> vector<2000x128xf32>
    %get3A_48 = arith.constant 0 : index
    %get3A_49 = arith.constant 0 : index
    %get3A_50 = vector.load %arg11[%get3A_48, %get3A_49] : memref<1x128xf32, #tpu.memory_space<vmem>>, vector<1x128xf32>
    %add3A_51 = vector.broadcast %get3A_50 : vector<1x128xf32> to vector<2000x128xf32>
    %add3A_52 = arith.addf %dot_general3A_47, %add3A_51 : vector<2000x128xf32>
    %logistic3A_53 = arith.negf %add3A_52 : vector<2000x128xf32>
    %logistic3A_54 = math.exp %logistic3A_53 : vector<2000x128xf32>
    %logistic3A_55 = arith.constant 1.000000e+00 : f32
    %logistic3A_56 = vector.broadcast %logistic3A_55 : f32 to vector<2000x128xf32>
    %logistic3A_57 = arith.addf %logistic3A_56, %logistic3A_54 : vector<2000x128xf32>
    %logistic3A_58 = arith.divf %logistic3A_56, %logistic3A_57 : vector<2000x128xf32>
    %mul3A_59 = arith.mulf %add3A_52, %logistic3A_58 : vector<2000x128xf32>
    %swap3A = arith.constant 0 : index
    %swap3A_60 = arith.constant 0 : index
    %swap3A_61 = vector.load %arg12[%swap3A, %swap3A_60] : memref<2000x128xf32, #tpu.memory_space<vmem>>, vector<2000x128xf32>
    tpu.vector_store %arg12[%swap3A, %swap3A_60], %mul3A_59 {strides = array<i32>} : memref<2000x128xf32, #tpu.memory_space<vmem>>, vector<2000x128xf32>,
    return
  }
  func.func @transform_0(%arg0: i32) -> (i32, i32) {
    %c0_i32 = arith.constant 0 : i32
    %c0_i32_0 = arith.constant 0 : i32
    return %arg0, %c0_i32 : i32, i32
  }
  func.func @transform_1(%arg0: i32) -> (i32, i32) {
    %c0_i32 = arith.constant 0 : i32
    %c0_i32_0 = arith.constant 0 : i32
    return %arg0, %c0_i32 : i32, i32
  }
  func.func @transform_2(%arg0: i32) -> (i32, i32) {
    %c0_i32 = arith.constant 0 : i32
    %c0_i32_0 = arith.constant 0 : i32
    return %arg0, %c0_i32 : i32, i32
  }
  func.func @transform_3(%arg0: i32) -> (i32, i32) {
    %c0_i32 = arith.constant 0 : i32
    %c0_i32_0 = arith.constant 0 : i32
    return %arg0, %c0_i32 : i32, i32
  }
  func.func @transform_4(%arg0: i32) -> (i32, i32) {
    %c0_i32 = arith.constant 0 : i32
    %c0_i32_0 = arith.constant 0 : i32
    %c0_i32_1 = arith.constant 0 : i32
    return %c0_i32, %c0_i32_0 : i32, i32
  }
  func.func @transform_5(%arg0: i32) -> (i32, i32) {
    %c0_i32 = arith.constant 0 : i32
    %c0_i32_0 = arith.constant 0 : i32
    %c0_i32_1 = arith.constant 0 : i32
    return %c0_i32, %c0_i32_0 : i32, i32
  }
  func.func @transform_6(%arg0: i32) -> (i32, i32) {
    %c0_i32 = arith.constant 0 : i32
    %c0_i32_0 = arith.constant 0 : i32
    %c0_i32_1 = arith.constant 0 : i32
    return %c0_i32, %c0_i32_0 : i32, i32
  }
  func.func @transform_7(%arg0: i32) -> (i32, i32) {
    %c0_i32 = arith.constant 0 : i32
    %c0_i32_0 = arith.constant 0 : i32
    %c0_i32_1 = arith.constant 0 : i32
    return %c0_i32, %c0_i32_0 : i32, i32
  }
  func.func @transform_8(%arg0: i32) -> (i32, i32) {
    %c0_i32 = arith.constant 0 : i32
    %c0_i32_0 = arith.constant 0 : i32
    %c0_i32_1 = arith.constant 0 : i32
    return %c0_i32, %c0_i32_0 : i32, i32
  }
  func.func @transform_9(%arg0: i32) -> (i32, i32) {
    %c0_i32 = arith.constant 0 : i32
    %c0_i32_0 = arith.constant 0 : i32
    %c0_i32_1 = arith.constant 0 : i32
    return %c0_i32, %c0_i32_0 : i32, i32
  }
  func.func @transform_10(%arg0: i32) -> (i32, i32) {
    %c0_i32 = arith.constant 0 : i32
    %c0_i32_0 = arith.constant 0 : i32
    %c0_i32_1 = arith.constant 0 : i32
    return %c0_i32, %c0_i32_0 : i32, i32
  }
  func.func @transform_11(%arg0: i32) -> (i32, i32) {
    %c0_i32 = arith.constant 0 : i32
    %c0_i32_0 = arith.constant 0 : i32
    return %arg0, %c0_i32 : i32, i32
  }
}

module attributes {stable_mosaic.version = 14 : i64} {
  func.func @_node_mlp_body(%arg0: i32, %arg1: memref<2000x128xf32, #tpu.memory_space<vmem>>, %arg2: memref<2x2000x128xf32, #tpu.memory_space<vmem>>, %arg3: memref<128x128xf32, #tpu.memory_space<vmem>>, %arg4: memref<128x128xf32, #tpu.memory_space<vmem>>, %arg5: memref<1x128xf32, #tpu.memory_space<vmem>>, %arg6: memref<128x128xf32, #tpu.memory_space<vmem>>, %arg7: memref<1x128xf32, #tpu.memory_space<vmem>>, %arg8: memref<2000x128xf32, #tpu.memory_space<vmem>>) attributes {dimension_semantics = [#tpu.dimension_semantics<arbitrary>], iteration_bounds = array<i64: 5>, scalar_prefetch = 0 : i64, scratch_operands = 0 : i64, tpu.core_type = #tpu.core_type<tc>, window_params = [{transform_indices = @transform_0, window_bounds = array<i64: 2000, 128>}, {transform_indices = @transform_1, window_bounds = array<i64: 2, 2000, 128>}, {pipeline_mode = #tpu.pipeline_mode<synchronous>, transform_indices = @transform_2, window_bounds = array<i64: 128, 128>}, {pipeline_mode = #tpu.pipeline_mode<synchronous>, transform_indices = @transform_3, window_bounds = array<i64: 128, 128>}, {pipeline_mode = #tpu.pipeline_mode<synchronous>, transform_indices = @transform_4, window_bounds = array<i64: 1, 128>}, {pipeline_mode = #tpu.pipeline_mode<synchronous>, transform_indices = @transform_5, window_bounds = array<i64: 128, 128>}, {pipeline_mode = #tpu.pipeline_mode<synchronous>, transform_indices = @transform_6, window_bounds = array<i64: 1, 128>}, {transform_indices = @transform_7, window_bounds = array<i64: 2000, 128>}]} {
    %get3A = arith.constant 0 : index
    %get3A_0 = arith.constant 0 : index
    %get3A_1 = arith.constant 0 : index
    %get3A_2 = vector.load %arg2[%get3A, %get3A_0, %get3A_1] : memref<2x2000x128xf32, #tpu.memory_space<vmem>>, vector<1x2000x128xf32>
    %get3A_3 = vector.shape_cast %get3A_2 : vector<1x2000x128xf32> to vector<2000x128xf32>
    %get3A_4 = arith.constant 1 : index
    %get3A_5 = arith.constant 0 : index
    %get3A_6 = arith.constant 0 : index
    %get3A_7 = vector.load %arg2[%get3A_4, %get3A_5, %get3A_6] : memref<2x2000x128xf32, #tpu.memory_space<vmem>>, vector<1x2000x128xf32>
    %get3A_8 = vector.shape_cast %get3A_7 : vector<1x2000x128xf32> to vector<2000x128xf32>
    %add3A = arith.addf %get3A_3, %get3A_8 : vector<2000x128xf32>
    %get3A_9 = arith.constant 0 : index
    %get3A_10 = arith.constant 0 : index
    %get3A_11 = vector.load %arg1[%get3A_9, %get3A_10] : memref<2000x128xf32, #tpu.memory_space<vmem>>, vector<2000x128xf32>
    %get3A_12 = arith.constant 0 : index
    %get3A_13 = arith.constant 0 : index
    %get3A_14 = vector.load %arg3[%get3A_12, %get3A_13] : memref<128x128xf32, #tpu.memory_space<vmem>>, vector<128x128xf32>
    %dot_general3A = arith.constant dense<0.000000e+00> : vector<2000x128xf32>
    %dot_general3A_15 = tpu.matmul %get3A_11, %get3A_14, %dot_general3A {dimension_numbers = #tpu.dot_dimension_numbers<[1], [0], [0], [1], [0, 0, 1, 1], [], []>, transpose_lhs_hint = false} : vector<2000x128xf32>, vector<128x128xf32>, vector<2000x128xf32> -> vector<2000x128xf32>
    %get3A_16 = arith.constant 0 : index
    %get3A_17 = arith.constant 0 : index
    %get3A_18 = vector.load %arg4[%get3A_16, %get3A_17] : memref<128x128xf32, #tpu.memory_space<vmem>>, vector<128x128xf32>
    %dot_general3A_19 = arith.constant dense<0.000000e+00> : vector<2000x128xf32>
    %dot_general3A_20 = tpu.matmul %add3A, %get3A_18, %dot_general3A_19 {dimension_numbers = #tpu.dot_dimension_numbers<[1], [0], [0], [1], [0, 0, 1, 1], [], []>, transpose_lhs_hint = false} : vector<2000x128xf32>, vector<128x128xf32>, vector<2000x128xf32> -> vector<2000x128xf32>
    %add3A_21 = arith.addf %dot_general3A_15, %dot_general3A_20 : vector<2000x128xf32>
    %get3A_22 = arith.constant 0 : index
    %get3A_23 = arith.constant 0 : index
    %get3A_24 = vector.load %arg5[%get3A_22, %get3A_23] : memref<1x128xf32, #tpu.memory_space<vmem>>, vector<1x128xf32>
    %add3A_25 = vector.broadcast %get3A_24 : vector<1x128xf32> to vector<2000x128xf32>
    %add3A_26 = arith.addf %add3A_21, %add3A_25 : vector<2000x128xf32>
    %logistic3A = arith.negf %add3A_26 : vector<2000x128xf32>
    %logistic3A_27 = math.exp %logistic3A : vector<2000x128xf32>
    %logistic3A_28 = arith.constant 1.000000e+00 : f32
    %logistic3A_29 = vector.broadcast %logistic3A_28 : f32 to vector<2000x128xf32>
    %logistic3A_30 = arith.addf %logistic3A_29, %logistic3A_27 : vector<2000x128xf32>
    %logistic3A_31 = arith.divf %logistic3A_29, %logistic3A_30 : vector<2000x128xf32>
    %mul3A = arith.mulf %add3A_26, %logistic3A_31 : vector<2000x128xf32>
    %get3A_32 = arith.constant 0 : index
    %get3A_33 = arith.constant 0 : index
    %get3A_34 = vector.load %arg6[%get3A_32, %get3A_33] : memref<128x128xf32, #tpu.memory_space<vmem>>, vector<128x128xf32>
    %dot_general3A_35 = arith.constant dense<0.000000e+00> : vector<2000x128xf32>
    %dot_general3A_36 = tpu.matmul %mul3A, %get3A_34, %dot_general3A_35 {dimension_numbers = #tpu.dot_dimension_numbers<[1], [0], [0], [1], [0, 0, 1, 1], [], []>, transpose_lhs_hint = false} : vector<2000x128xf32>, vector<128x128xf32>, vector<2000x128xf32> -> vector<2000x128xf32>
    %get3A_37 = arith.constant 0 : index
    %get3A_38 = arith.constant 0 : index
    %get3A_39 = vector.load %arg7[%get3A_37, %get3A_38] : memref<1x128xf32, #tpu.memory_space<vmem>>, vector<1x128xf32>
    %add3A_40 = vector.broadcast %get3A_39 : vector<1x128xf32> to vector<2000x128xf32>
    %add3A_41 = arith.addf %dot_general3A_36, %add3A_40 : vector<2000x128xf32>
    %get3A_42 = arith.constant 0 : index
    %get3A_43 = arith.constant 0 : index
    %get3A_44 = vector.load %arg1[%get3A_42, %get3A_43] : memref<2000x128xf32, #tpu.memory_space<vmem>>, vector<2000x128xf32>
    %add3A_45 = arith.addf %add3A_41, %get3A_44 : vector<2000x128xf32>
    %swap3A = arith.constant 0 : index
    %swap3A_46 = arith.constant 0 : index
    %swap3A_47 = vector.load %arg8[%swap3A, %swap3A_46] : memref<2000x128xf32, #tpu.memory_space<vmem>>, vector<2000x128xf32>
    tpu.vector_store %arg8[%swap3A, %swap3A_46], %add3A_45 {strides = array<i32>} : memref<2000x128xf32, #tpu.memory_space<vmem>>, vector<2000x128xf32>,
    return
  }
  func.func @transform_0(%arg0: i32) -> (i32, i32) {
    %c0_i32 = arith.constant 0 : i32
    %c0_i32_0 = arith.constant 0 : i32
    return %arg0, %c0_i32 : i32, i32
  }
  func.func @transform_1(%arg0: i32) -> (i32, i32, i32) {
    %c0_i32 = arith.constant 0 : i32
    %c0_i32_0 = arith.constant 0 : i32
    %c0_i32_1 = arith.constant 0 : i32
    return %c0_i32, %arg0, %c0_i32_0 : i32, i32, i32
  }
  func.func @transform_2(%arg0: i32) -> (i32, i32) {
    %c0_i32 = arith.constant 0 : i32
    %c0_i32_0 = arith.constant 0 : i32
    %c0_i32_1 = arith.constant 0 : i32
    return %c0_i32, %c0_i32_0 : i32, i32
  }
  func.func @transform_3(%arg0: i32) -> (i32, i32) {
    %c0_i32 = arith.constant 0 : i32
    %c0_i32_0 = arith.constant 0 : i32
    %c0_i32_1 = arith.constant 0 : i32
    return %c0_i32, %c0_i32_0 : i32, i32
  }
  func.func @transform_4(%arg0: i32) -> (i32, i32) {
    %c0_i32 = arith.constant 0 : i32
    %c0_i32_0 = arith.constant 0 : i32
    %c0_i32_1 = arith.constant 0 : i32
    return %c0_i32, %c0_i32_0 : i32, i32
  }
  func.func @transform_5(%arg0: i32) -> (i32, i32) {
    %c0_i32 = arith.constant 0 : i32
    %c0_i32_0 = arith.constant 0 : i32
    %c0_i32_1 = arith.constant 0 : i32
    return %c0_i32, %c0_i32_0 : i32, i32
  }
  func.func @transform_6(%arg0: i32) -> (i32, i32) {
    %c0_i32 = arith.constant 0 : i32
    %c0_i32_0 = arith.constant 0 : i32
    %c0_i32_1 = arith.constant 0 : i32
    return %c0_i32, %c0_i32_0 : i32, i32
  }
  func.func @transform_7(%arg0: i32) -> (i32, i32) {
    %c0_i32 = arith.constant 0 : i32
    %c0_i32_0 = arith.constant 0 : i32
    return %arg0, %c0_i32 : i32, i32
  }
}

</mosaic_0001>

<sc_bundles>
// kernel: kernel.6.cloned.1.call-start
scs
__scs_entry_jumppad:
0x0: {  	(pc) =	sbr.rel $0x88, $3  }
0x1: {  	(tag) =	ssettag $0x0;
	lr =	simm.s32 $0x1  }
0x2: {  	[smem:$0x3F95] =	sst lr;
	_ =	strace $0xD0000000  }
0x3: {  	_ = 	snop  }
0x4: {  	_ = 	snop  }
0x5: {  	_ = 	snop  }
0x6: {  	_ = 	snop  }
0x7: {  	_ = 	snop  }
__scs_overlays_trampoline_lowered:
0x8: {  	[smem:$0x3FA4] =	sst s0  }
0x9: {  	[smem:$0x3FA5] =	sst s1  }
0xa: {  	[smem:$0x3FA6] =	sst s2  }
0xb: {  	[smem:$0x3FA7] =	sst s3  }
0xc: {  	[smem:$0x3FA8] =	sst s4  }
0xd: {  	[smem:$0x3FA9] =	sst s5  }
0xe: {  	[smem:$0x3FAA] =	sst s6  }
0xf: {  	[smem:$0x3FAB] =	sst s7  }
0x10: {  	[smem:$0x3FAC] =	sst s8  }
0x11: {  	[smem:$0x3FAD] =	sst s9;
	s0 =	simm.s32 @!p0 $0x0  }
0x12: {  	s1 =	sld [smem:$0x3F93];
	s0 =	simm.s32 @p0 $0x1  }
0x13: {  	[smem:$0x3FAE] =	sst s0;
	s0 =	simm.s32 @!p1 $0x0  }
0x14: {  	s2 =	sld [smem:$0x3F92];
	s0 =	simm.s32 @p1 $0x1  }
0x15: {  	[smem:$0x3FAF] =	sst s0;
	s0 =	simm.s32 @!p2 $0x0  }
0x16: {  	s3 =	sld [smem:$0x3FDB];
	s0 =	simm.s32 @p2 $0x1  }
0x17: {  	s4 =	simm.s32 $0x1BF5;
	[smem:$0x3FB1] =	sst s0  }
0x18: {  	s0 =	sld [smem:$0x3F94];
	_ =	swait.ge [sflag:s4], $0x0  }
0x19: {  	s7 =	sld [smem:$0x3F95]  }
0x1a: {  	s8 =	sadd.s32 $0xFFFFE003, lr  }
0x1b: {  	s9 =	sadd.s32 $0xFFFFFEF7, lr;
	s5 =	simm.s32 $0xFFFFFFFF;
	p2 =	slt.u32 s8, $0xFFFFF086  }
0x1c: {  	p1 =	slt.u32 s9, $0xF7A;
	s5 =	simm.s32 @!p2 $0x0  }
0x1d: {  	s5 =	simm.s32 @p1 $0x1;
	p0 =	seq.s32 s7, s2  }
0x1e: {  	s7 =	smul.u32 @!p0 $0xF7A, s2;
	p2 =	seq.s32 @!p0 s5, $0x0  }
0x1f: {  	s9 =	smul.u32 $0xF7A, s1;
	s8 =	simm.s32 @!p0 $0x1BF5;
	p2 =	por !p2, p0  }
0x20: {  	[sflag:s8] =	ssyncset.s32 @!p0 $0xFFFFF086;
	s6 =	sadd.s32 @!p0 s3, s7;
	s7 =	simm.s32 @!p0 $0x108  }
0x21: {  	s3 =	sadd.s32 s3, s9;
	s6 =	sadd.s32 @!p0 $0x88, s6;
	s7 =	simm.s32 @p2 $0x1082  }
0x22: {  	[simem:s7], [sflag:s8] =	dma.local @!p0 [hbm:s6], $0xF7A  }
0x23: {  	s9 =	sor.u32 $0xD0000000, s2;
	s6 =	simm.s32 $0x108;
	_ =	swait.ge @!p0 [sflag:s8], $0x0  }
0x24: {  	s3 =	sadd.s32 $0x88, s3;
	s6 =	simm.s32 @!p1 $0x1082;
	[sflag:s4] =	ssyncset.s32 $0xFFFFF086  }
0x25: {  	[simem:s6], [sflag:s4] =	dma.local [hbm:s3], $0xF7A  }
0x26: {  	[smem:$0x3F95] =	sst s1;
	(tag) =	ssettag s2;
	_ =	strace s9  }
0x27: {  	s1 =	sld [smem:$0x3FA5]  }
0x28: {  	s2 =	sld [smem:$0x3FA6]  }
0x29: {  	s4 =	sld [smem:$0x3FA8]  }
0x2a: {  	p0 =	seq.s32 s5, $0x0;
	s5 =	sld [smem:$0x3FA9]  }
0x2b: {  	s6 =	sld [smem:$0x3FAA]  }
0x2c: {  	s7 =	sld [smem:$0x3FAB]  }
0x2d: {  	s3 =	simm.s32 $0x108;
	s8 =	sld [smem:$0x3FAC]  }
0x2e: {  	s3 =	simm.s32 @!p0 $0x1082;
	s9 =	sld [smem:$0x3FAD]  }
0x2f: {  	lr =	sadd.s32 s0, s3;
	s0 =	sld [smem:$0x3FA4]  }
0x30: {  	s3 =	sld [smem:$0x3FA7]  }
0x31: {  	[smem:$0x3FB0] =	sst s10  }
0x32: {  	s10 =	sld [smem:$0x3FAE];
	_ =	sdelay $0x3  }
0x33: {  	p0 =	seq.s32 s10, $0x1;
	s10 =	sld [smem:$0x3FB0];
	_ =	sdelay $0x3  }
0x34: {  	[smem:$0x3FB0] =	sst s10  }
0x35: {  	s10 =	sld [smem:$0x3FAF];
	_ =	sdelay $0x3  }
0x36: {  	p1 =	seq.s32 s10, $0x1;
	s10 =	sld [smem:$0x3FB0];
	_ =	sdelay $0x3  }
0x37: {  	[smem:$0x3FB0] =	sst s10  }
0x38: {  	s10 =	sld [smem:$0x3FB1]  }
0x39: {  	_ = 	snop;
	(pc) =	sbr.ind lr, $3  }
0x3a: {  	_ = 	snop  }
0x3b: {  	_ = 	snop  }
0x3c: {  	p2 =	seq.s32 s10, $0x1;
	s10 =	sld [smem:$0x3FB0]  }
0x3d: {  	_ =	shalt  }
0x3e: {  	_ =	shalt  }
0x3f: {  	_ =	shalt  }
0x40: {  	_ =	shalt  }
0x41: {  	_ =	shalt  }
0x42: {  	_ =	shalt  }
0x43: {  	_ =	shalt  }
0x44: {  	_ =	shalt  }
0x45: {  	_ =	shalt  }
0x46: {  	_ =	shalt  }
0x47: {  	_ =	shalt  }
0x48: {  	_ =	shalt  }
0x49: {  	_ =	shalt  }
0x4a: {  	_ =	shalt  }
0x4b: {  	_ =	shalt  }
0x4c: {  	_ =	shalt  }
0x4d: {  	_ =	shalt  }
0x4e: {  	_ =	shalt  }
0x4f: {  	_ =	shalt  }
0x50: {  	_ =	shalt  }
0x51: {  	_ =	shalt  }
0x52: {  	_ =	shalt  }
0x53: {  	_ =	shalt  }
0x54: {  	_ =	shalt  }
0x55: {  	_ =	shalt  }
0x56: {  	_ =	shalt  }
0x57: {  	_ =	shalt  }
0x58: {  	_ =	shalt  }
0x59: {  	_ =	shalt  }
0x5a: {  	_ =	shalt  }
0x5b: {  	_ =	shalt  }
0x5c: {  	_ =	shalt  }
0x5d: {  	_ =	shalt  }
0x5e: {  	_ =	shalt  }
0x5f: {  	_ =	shalt  }
0x60: {  	_ =	shalt  }
0x61: {  	_ =	shalt  }
0x62: {  	_ =	shalt  }
0x63: {  	_ =	shalt  }
0x64: {  	_ =	shalt  }
0x65: {  	_ =	shalt  }
0x66: {  	_ =	shalt  }
0x67: {  	_ =	shalt  }
0x68: {  	_ =	shalt  }
0x69: {  	_ =	shalt  }
0x6a: {  	_ =	shalt  }
0x6b: {  	_ =	shalt  }
0x6c: {  	_ =	shalt  }
0x6d: {  	_ =	shalt  }
0x6e: {  	_ =	shalt  }
0x6f: {  	_ =	shalt  }
0x70: {  	_ =	shalt  }
0x71: {  	_ =	shalt  }
0x72: {  	_ =	shalt  }
0x73: {  	_ =	shalt  }
0x74: {  	_ =	shalt  }
0x75: {  	_ =	shalt  }
0x76: {  	_ =	shalt  }
0x77: {  	_ =	shalt  }
0x78: {  	_ =	shalt  }
0x79: {  	_ =	shalt  }
0x7a: {  	_ =	shalt  }
0x7b: {  	_ =	shalt  }
0x7c: {  	_ =	shalt  }
0x7d: {  	_ =	shalt  }
0x7e: {  	_ =	shalt  }
0x7f: {  	_ =	shalt  }
0x80: {  	_ =	shalt  }
0x81: {  	_ =	shalt  }
0x82: {  	_ =	shalt  }
0x83: {  	_ =	shalt  }
0x84: {  	_ =	shalt  }
0x85: {  	_ =	shalt  }
0x86: {  	_ =	shalt  }
0x87: {  	_ =	shalt  }
.Lfunc_end0:
.L_simem_size_0:
called_computation_lowered:
.L_overlay_start_0:
0x88: {  	s2 =	sld [smem:$0x3FD9]  }
0x89: {  	s3 =	sld [smem:$0x3FFE];
	_ =	sdelay $0x1  }
0x8a: {  	s1 =	srdreg.scid  }
0x8b: {  	s0 =	sand.u32 $0x1, s1  }
0x8c: {  	s14 =	sshll.u32 s0, $0xA;
	s2 =	sadd.s32 s3, s2  }
0x8d: {  	s2 =	sadd.s32 s2, s14  }
0x8e: {  	[smem:$0x3FBC] =	sst s2  }
0x8f: {  	_ = 	snop  }
0x90: {  	s2 =	sld [smem:$0x3FD0];
	_ =	sdelay $0x2  }
0x91: {  	s4 =	simm.s32 $0xA;
	s5 =	simm.s32 $0x10;
	s15 =	sld [smem:$0x3FC9]  }
0x92: {  	[smem:s5], [sflag:s4] =	dma.local [hbm:s2], $0x1  }
0x93: {  	_ =	swait.eq [sflag:s4], $0x1  }
0x94: {  	[sflag:s4] =	ssyncset.done $0x0  }
0x95: {  	s16 =	sld [smem:$0x10];
	[sflag:s4] =	ssyncadd.s32 $0xFFFFFFFF  }
0x96: {  	s17 =	sld [smem:$0x12];
	(tm) =	ssettm $0x1  }
0x97: {  	s18 =	sld [smem:$0x3FFB];
	_ =	sdelay $0x3  }
0x98: {  	_ =	strace s18  }
0x99: {  	s5 =	sld [smem:$0x3FFC];
	_ =	sdelay $0x3  }
0x9a: {  	_ =	strace s5  }
0x9b: {  	s5 =	sld [smem:$0x3FFD];
	_ =	sdelay $0x3  }
0x9c: {  	_ =	strace s5  }
0x9d: {  	_ =	strace $0x8FFFFFFF  }
0x9e: {  	s19 =	sld [smem:$0x3FDB];
	_ =	sdelay $0x1  }
0x9f: {  	s6 =	simm.s32 $_scs_section_size  }
0xa0: {  	s7 =	simm.s32 $_size__tile_overlayer_lowered;
	s8 =	simm.s32 $_tile_overlayer_lowered  }
0xa1: {  	s22 =	simm.s32 $0x1BFF;
	s21 =	sshll.u32 s8, $0x1;
	s5 =	sadd.s32 s6, s19  }
0xa2: {  	s9 =	simm.s32 $0x0;
	s20 =	sshll.u32 s7, $0x1;
	s7 =	sadd.s32 s21, s5  }
0xa3: {  	[timem:s9], [sflag:s22] =	dma.local [hbm:s7], s20  }
0xa4: {  	_ =	swait.ge [sflag:s22], s20  }
0xa5: {  	s6 =	ssub.s32 $0x0, s20;
	[sflag:s22] =	ssyncset.done $0x0  }
0xa6: {  	[sflag:s22] =	ssyncadd.s32 s6;
	_ =	sdelay $0x1  }
0xa7: {  	s23 =	simm.s32 $0x1B8B  }
0xa8: {  	_ =	swait.ge [sflag:s23], $0x1  }
0xa9: {  	[sflag:s23] =	ssyncset.done $0x0  }
0xaa: {  	s25 =	simm.s32 $0x1B8E;
	s24 =	sld [smem:$0x3FFE];
	[sflag:s23] =	ssyncadd.s32 $0xFFFFFFFF  }
0xab: {  	s26 =	simm.s32 $execute0_lowered;
	[smem:$0x3FD2] =	sst s25  }
0xac: {  	s7 =	sshll.u32 s26, $0x1;
	_ =	strace $0x80000046;
	[dreg:$0x1] =	wrdreg $0xFFFFFFFF  }
0xad: {  	s28 =	simm.s32 $_size_execute0_lowered;
	s5 =	sadd.s32 s5, s7;
	[dreg:$0x0] =	wrdreg $0x0  }
0xae: {  	s7 =	sshll.u32 s28, $0x1;
	[dreg:$0x2] =	wrdreg s5  }
0xaf: {  	[dreg:$0x3] =	wrdreg s7  }
0xb0: {  	[dreg:$0x4] =	wrdreg $0xC0  }
0xb1: {  	_ =	task [dreg:s9], $0x5FFFF  }
0xb2: {  	[dreg:$0x1] =	wrdreg $0xFFFFFFFF  }
0xb3: {  	[dreg:$0x0] =	wrdreg $0x60  }
0xb4: {  	[dreg:$0x2] =	wrdreg s15  }
0xb5: {  	[dreg:$0x3] =	wrdreg s24  }
0xb6: {  	[dreg:$0x4] =	wrdreg s16  }
0xb7: {  	[dreg:$0x5] =	wrdreg s17  }
0xb8: {  	[dreg:$0x6] =	wrdreg $0x9  }
0xb9: {  	_ =	task.clear_ibuf [dreg:s9], $0x7FFFF;
	_ =	strace $0x90000046  }
0xba: {  	s29 =	simm.s32 $0x9;
	_ =	strace $0x80000048  }
0xbb: {  	_ =	swait.ge [sflag:s29], $0x1  }
0xbc: {  	[sflag:s29] =	ssyncadd.s32 $0xFFFFFFFF  }
0xbd: {  	_ =	strace $0x90000048  }
0xbe: {  	_ =	sfence  }
0xbf: {  	s30 =	sld [smem:$0x0];
	_ =	sdelay $0x2  }
0xc0: {  	s31 =	sshll.u32 s1, $0xD;
	s1 =	sshrl.u32 s1, $0x2  }
0xc1: {  	s3 =	sand.u32 $0x4000, s31;
	s1 =	sadd.s32 s1, s30  }
0xc2: {  	s0 =	sor.u32 s3, s0;
	s1 =	sshll.u32 s1, $0x11  }
0xc3: {  	s0 =	sor.u32 s1, s0  }
0xc4: {  	s0 =	sadd.s32 $0x8F2B, s0  }
0xc5: {  	[sflag:s0] =	ssyncadd.remote.s32 $0x1  }
0xc6: {  	_ =	sfence.sel $0xFFFF  }
0xc7: {  	[dreg:$0x0] =	wrdreg $0xFFFFFFFF;
	(pc) =	sbr.abs _section_cstart, $3  }
0xc8: {  	[dreg:$0x1] =	wrdreg $0xFFFFFFFF  }
0xc9: {  	_ =	task.clear_ibuf [dreg:s9], $0x2FFFF;
	_ =	strace $0x9FFFFFFF  }
0xca: {  	(tm) =	ssettm $0x7FFFFFFF  }
0xcb: {  	_ =	shalt  }
tec
execute0_lowered:
.L_overlay_start_1:
0x0: {  	(tag) =	ssettag $0x1  }
0x1: {  	s1 =	rddreg [dreg:$0x0]  }
0x2: {  	s9 =	rddreg [dreg:$0x1]  }
0x3: {  	s2 =	rddreg [dreg:$0x2]  }
0x4: {  	s3 =	rddreg [dreg:$0x3]  }
0x5: {  	s0 =	rddreg [dreg:$0x4];
	s4 =	simm.s32 $0x0  }
0x6: {  	s7 =	srdreg.scid;
	s5 =	stileid.u32;
	s14 =	simm.s32 $0x200  }
0x7: {  	s15 =	simm.s32 $0x190;
	s16 =	simm.s32 $0x400;
	s17 =	simm.s32 $0x1  }
0x8: {  	s18 =	simm.s32 $0xCC00;
	s19 =	simm.s32 $0x0;
	[smem:$0x7FF] =	sst s4  }
0x9: {  	s6 =	sadd.s32 $0xD200, s9;
	s10 =	sand.u32 $0x1, s7;
	s7 =	sadd.s32 $0x3400, s9  }
0xa: {  	s12 =	sshll.u32 s5, $0x1;
	s8 =	sadd.s32 $0xE600, s9;
	s11 =	ssub.s32 $0x2, s10  }
0xb: {  	s9 =	sadd.s32 $0x4F0600, s9;
	_ =	strace $0x80000047;
	s13 =	sshrl.u32 s11, $0x1  }
0xc: {  	s10 =	sor.u32 s10, s12;
	s12 =	simm.s32 $0xCE00;
	s11 =	ssub.s32 s11, s13  }
0xd: {  	s10 =	smul.u32 $0x2710, s10;
	s13 =	simm.s32 $0x2;
	s11 =	smax.u32 s11, $0x1  }
.LBB2_1:
0xe: {  	[tilespmem:s12], [sflag:$0x2] =	stream.linear.gather [hbm4b:s6+s4], $0x9C80, $0x38;
	[tilespmem:$0x16A80] =	vst v63  }
0xf: {  	_ =	swait.ge [sflag:s13], $0x9C80  }
0x10: {  	[sflag:s13] =	ssyncset.done $0x0  }
0x11: {  	s20 =	simm.s32 $0x0;
	[sflag:s13] =	ssyncadd.s32 $0xFFFF6380  }
.LBB2_2:
0x12: {  	s21 =	smul.u32 $0x190, s20;
	_ =	sdelay $0x1  }
0x13: {  	s22 =	sadd.s32 s10, s21  }
0x14: {  	s21 =	sshrl.u32 s22, $0x3  }
0x15: {  	s24 =	simm.s32 $0x0;
	s23 =	sadd.s32 s7, s21  }
0x16: {  	[tilespmem:s24], [sflag:$0x2] =	stream.linear.gather [hbm4b:s23+s24], $0x190, $0x38;
	[tilespmem:$0x16A80] =	vst v63  }
0x17: {  	_ =	swait.ge [sflag:s13], $0x190  }
0x18: {  	[sflag:s13] =	ssyncset.done $0x0  }
0x19: {  	s30 =	sadd.s32 s2, s21;
	[sflag:s13] =	ssyncadd.s32 $0xFFFFFE70  }
0x1a: {  	[tilespmem:s14], [sflag:$0x2] =	stream.linear.gather [hbm4b:s30+s24], $0x190, $0x38;
	[tilespmem:$0x16A80] =	vst v63  }
0x1b: {  	_ =	swait.ge [sflag:s13], $0x190  }
0x1c: {  	[sflag:s13] =	ssyncset.done $0x0  }
0x1d: {  	[sflag:s13] =	ssyncadd.s32 $0xFFFFFE70  }
0x1e: {  	[tilespmem:s16], [sflag:$0x1] =	stream.indirect.gather [hbm4b:s1+s15], $0x80, s24, s15, $0xb8;
	[tilespmem:$0x16A80] =	vst v63  }
0x1f: {  	_ =	swait.ge [sflag:s17], $0xC800  }
0x20: {  	s22 =	sshll.u32 s22, $0x4;
	[sflag:s17] =	ssyncset.done $0x0  }
0x21: {  	s31 =	sadd.s32 s8, s22;
	[sflag:s17] =	ssyncadd.s32 $0xFFFF3800  }
0x22: {  	[hbm4b:s31+s24] =	stream.linear.scatter [tilespmem:s16], [sflag:$0x2], $0xC800, $0x38;
	[tilespmem:$0x16A80] =	vst v63  }
0x23: {  	_ =	swait.ge [sflag:s13], $0xC800  }
0x24: {  	[sflag:s13] =	ssyncset.done $0x0  }
0x25: {  	[sflag:s13] =	ssyncadd.s32 $0xFFFF3800  }
0x26: {  	[tilespmem:s16], [sflag:$0x1] =	stream.indirect.gather [hbm4b:s1+s15], $0x80, s14, s15, $0xb8;
	[tilespmem:$0x16A80] =	vst v63  }
0x27: {  	_ =	swait.ge [sflag:s17], $0xC800  }
0x28: {  	[sflag:s17] =	ssyncset.done $0x0  }
0x29: {  	s22 =	sadd.s32 s9, s22;
	[sflag:s17] =	ssyncadd.s32 $0xFFFF3800  }
0x2a: {  	[hbm4b:s22+s24] =	stream.linear.scatter [tilespmem:s16], [sflag:$0x2], $0xC800, $0x38;
	[tilespmem:$0x16A80] =	vst v63  }
0x2b: {  	_ =	swait.ge [sflag:s13], $0xC800  }
0x2c: {  	[sflag:s13] =	ssyncset.done $0x0  }
0x2d: {  	s22 =	simm.s32 $0x0;
	[sflag:s13] =	ssyncadd.s32 $0xFFFF3800  }
0x2e: {  	v0 =	vld [tilespmem:s22+$0x200]  }
0x2f: {  	v1 =	vld [tilespmem:s22+$0x0];
	_ =	sdelay $0x3  }
0x30: {  	v0 =	vshll.u32 v0, $0x2  }
0x31: {  	v1 =	vshll.u32 v1, $0x2  }
0x32: {  	v2 =	vor.u32 $0x1, v1  }
0x33: {  	v3 =	vor.u32 $0x1, v0  }
0x34: {  	v4 =	vor.u32 $0x2, v1  }
0x35: {  	v6 =	vor.u32 $0x2, v0;
	v5 =	vld.idx.msk [tilespmem:v0+s12+$0x0], $0xffff  }
0x36: {  	v7 =	vld.idx.msk [tilespmem:v1+s12+$0x0], $0xffff  }
0x37: {  	v8 =	vld.idx.msk [tilespmem:v2+s12+$0x0], $0xffff  }
0x38: {  	v9 =	vld.idx.msk [tilespmem:v3+s12+$0x0], $0xffff  }
0x39: {  	v0 =	vld.idx.msk [tilespmem:v4+s12+$0x0], $0xffff  }
0x3a: {  	v2 =	vld.idx.msk [tilespmem:v6+s12+$0x0], $0xffff  }
0x3b: {  	s23 =	simm.s32 $0x10  }
0x3c: {  	v3 =	vld [tilespmem:s23+$0x200]  }
0x3d: {  	s24 =	simm.s32 $0x80;
	v1 =	vld [tilespmem:s23+$0x0];
	v4 =	vsub.f32 v7, v5;
	v5 =	vsub.f32 v8, v9  }
.LBB2_3:
0x3e: {  	p0 =	sne.s32 s24, $0x600  }
0x3f: {  	v0 =	vsub.f32 v0, v2;
	v4 =	vmul.f32 v4, v4;
	v5 =	vmul.f32 v5, v5;
	_ =	sdelay $0x1  }
0x40: {  	v0 =	vmul.f32 v0, v0;
	v2 =	vshll.u32 v3, $0x2;
	v3 =	vadd.f32 v5, v4  }
0x41: {  	v1 =	vshll.u32 v1, $0x2  }
0x42: {  	v4 =	vor.u32 $0x1, v1;
	v0 =	vadd.f32 v0, v3  }
0x43: {  	v3 =	vor.u32 $0x1, v2  }
0x44: {  	v5 =	vor.u32 $0x2, v1;
	[tilespmem:s22+$0xCC00] =	vst v0;
	s22 =	smov.u32 s23  }
0x45: {  	v6 =	vld.idx.msk [tilespmem:v2+s12+$0x0], $0xffff;
	v2 =	vor.u32 $0x2, v2  }
0x46: {  	v7 =	vld.idx.msk [tilespmem:v1+s12+$0x0], $0xffff  }
0x47: {  	v8 =	vld.idx.msk [tilespmem:v4+s12+$0x0], $0xffff  }
0x48: {  	v9 =	vld.idx.msk [tilespmem:v3+s12+$0x0], $0xffff  }
0x49: {  	v0 =	vld.idx.msk [tilespmem:v5+s12+$0x0], $0xffff  }
.Ltmp0:
0x4a: {  	v2 =	vld.idx.msk [tilespmem:v2+s12+$0x0], $0xffff;
	(pc) =	sbr.rel @p0 .LBB2_3-.Ltmp0, $4  }
0x4b: {  	_ = 	snop  }
0x4c: {  	s23 =	sshra.s32 s24, $0x2  }
0x4d: {  	v3 =	vld [tilespmem:s23+$0x200]  }
0x4e: {  	s24 =	sadd.s32 $0x40, s24;
	v4 =	vsub.f32 v7, v6;
	v5 =	vsub.f32 v8, v9;
	v1 =	vld [tilespmem:s23+$0x0]  }
0x4f: {  	_ = 	snop  }
0x50: {  	v0 =	vsub.f32 v0, v2;
	v4 =	vmul.f32 v4, v4;
	v5 =	vmul.f32 v5, v5;
	_ =	sdelay $0x1  }
0x51: {  	v0 =	vmul.f32 v0, v0;
	v57 =	vshll.u32 v3, $0x2;
	v58 =	vadd.f32 v5, v4  }
0x52: {  	v1 =	vshll.u32 v1, $0x2  }
0x53: {  	v60 =	vor.u32 $0x1, v57;
	v0 =	vadd.f32 v0, v58  }
0x54: {  	v59 =	vor.u32 $0x1, v1  }
0x55: {  	v2 =	vor.u32 $0x2, v57;
	[tilespmem:s22+$0xCC00] =	vst v0  }
0x56: {  	v61 =	vor.u32 $0x2, v1;
	v0 =	vld.idx.msk [tilespmem:v57+s12+$0x0], $0xffff  }
0x57: {  	v1 =	vld.idx.msk [tilespmem:v1+s12+$0x0], $0xffff  }
0x58: {  	v3 =	vld.idx.msk [tilespmem:v60+s12+$0x0], $0xffff  }
0x59: {  	v4 =	vld.idx.msk [tilespmem:v59+s12+$0x0], $0xffff  }
0x5a: {  	v2 =	vld.idx.msk [tilespmem:v2+s12+$0x0], $0xffff  }
0x5b: {  	v5 =	vld.idx.msk [tilespmem:v61+s12+$0x0], $0xffff;
	_ =	sdelay $0x2  }
0x5c: {  	v0 =	vsub.f32 v1, v0;
	v62 =	vsub.f32 v4, v3;
	_ =	sdelay $0x1  }
0x5d: {  	v2 =	vsub.f32 v5, v2;
	v0 =	vmul.f32 v0, v0;
	v1 =	vmul.f32 v62, v62;
	_ =	sdelay $0x1  }
0x5e: {  	v63 =	vmul.f32 v2, v2;
	v0 =	vadd.f32 v1, v0;
	_ =	sdelay $0x1  }
0x5f: {  	s20 =	sadd.s32 $0x1, s20;
	v0 =	vadd.f32 v63, v0  }
0x60: {  	p0 =	sne.s32 s20, $0x19  }
.Ltmp1:
0x61: {  	s21 =	sadd.s32 s3, s21;
	[tilespmem:s23+$0xCC00] =	vst v0;
	(pc) =	sbr.rel @p0 .LBB2_2-.Ltmp1, $4  }
0x62: {  	[hbm4b:s21+s4] =	stream.linear.scatter [tilespmem:s18], [sflag:$0x2], $0x190, $0x38;
	[tilespmem:$0x16A80] =	vst v63  }
0x63: {  	_ =	swait.ge [sflag:s13], $0x190  }
0x64: {  	[sflag:s13] =	ssyncset.done $0x0  }
0x65: {  	[sflag:s13] =	ssyncadd.s32 $0xFFFFFE70  }
0x66: {  	s19 =	sadd.s32 $0x1, s19  }
0x67: {  	p0 =	sne.s32 s19, s11  }
.Ltmp2:
0x68: {  	_ = 	snop;
	(pc) =	sbr.rel @p0 .LBB2_1-.Ltmp2, $1  }
0x69: {  	_ =	sdelay $0x3  }
0x6a: {  	_ =	sfence.sel $0x180000  }
0x6b: {  	[bflag:$0x0] =	sbarrier.arrive $0xFFFF  }
0x6c: {  	p0 =	sne.s32 s5, $0x0;
	_ =	strace $0x90000047  }
0x6d: {  	s0 =	sadd.s32 @!p0 $0x100000, s0;
	[bflag:$0x2] =	sbarrier.arrive $0xFFFF  }
0x6e: {  	[sflag:s0] =	ssyncadd.tile.s32 @!p0 $0x1;
	_ =	shalt  }
.Lfunc_end2:
_tile_overlayer_lowered:
.L_overlay_start_2:
0x6f: {  	(tag) =	ssettag $0x2  }
0x70: {  	s0 =	rddreg [dreg:$0x0];
	s2 =	stileid.u32  }
0x71: {  	s1 =	rddreg [dreg:$0x1];
	p0 =	sne.s32 s2, $0x0  }
0x72: {  	s3 =	rddreg [dreg:$0x2];
	[bflag:$0x3] =	sbarrier.arrive $0xFFFF;
	s2 =	simm.s32 @!p0 $0x1C02  }
0x73: {  	[timem:s3], [sflag:s2] =	dma.local @!p0 [hbm:s0], s1  }
0x74: {  	s0 =	simm.s32 @!p0 $0x2  }
0x75: {  	_ =	swait.ge @!p0 [sflag:s0], s1  }
0x76: {  	s1 =	ssub.s32 @!p0 $0x0, s1;
	[sflag:s0] =	ssyncset.done @!p0 $0x0  }
0x77: {  	[sflag:s0] =	ssyncadd.s32 @!p0 s1  }
0x78: {  	[bflag:$0x3] =	sbarrier.arrive $0xFFFF  }
0x79: {  	_ =	shalt  }

// kernel: kernel.9.cloned.1.call-start
scs
__scs_entry_jumppad:
0x0: {  	(pc) =	sbr.rel $0x88, $3  }
0x1: {  	(tag) =	ssettag $0x0;
	lr =	simm.s32 $0x1  }
0x2: {  	[smem:$0x3F95] =	sst lr;
	_ =	strace $0xD0000000  }
0x3: {  	_ = 	snop  }
0x4: {  	_ = 	snop  }
0x5: {  	_ = 	snop  }
0x6: {  	_ = 	snop  }
0x7: {  	_ = 	snop  }
__scs_overlays_trampoline_lowered:
0x8: {  	[smem:$0x3FA4] =	sst s0  }
0x9: {  	[smem:$0x3FA5] =	sst s1  }
0xa: {  	[smem:$0x3FA6] =	sst s2  }
0xb: {  	[smem:$0x3FA7] =	sst s3  }
0xc: {  	[smem:$0x3FA8] =	sst s4  }
0xd: {  	[smem:$0x3FA9] =	sst s5  }
0xe: {  	[smem:$0x3FAA] =	sst s6  }
0xf: {  	[smem:$0x3FAB] =	sst s7  }
0x10: {  	[smem:$0x3FAC] =	sst s8  }
0x11: {  	[smem:$0x3FAD] =	sst s9;
	s0 =	simm.s32 @!p0 $0x0  }
0x12: {  	s1 =	sld [smem:$0x3F93];
	s0 =	simm.s32 @p0 $0x1  }
0x13: {  	[smem:$0x3FAE] =	sst s0;
	s0 =	simm.s32 @!p1 $0x0  }
0x14: {  	s2 =	sld [smem:$0x3F92];
	s0 =	simm.s32 @p1 $0x1  }
0x15: {  	[smem:$0x3FAF] =	sst s0;
	s0 =	simm.s32 @!p2 $0x0  }
0x16: {  	s3 =	sld [smem:$0x3FDB];
	s0 =	simm.s32 @p2 $0x1  }
0x17: {  	s4 =	simm.s32 $0x1BF5;
	[smem:$0x3FB1] =	sst s0  }
0x18: {  	s0 =	sld [smem:$0x3F94];
	_ =	swait.ge [sflag:s4], $0x0  }
0x19: {  	s7 =	sld [smem:$0x3F95]  }
0x1a: {  	s8 =	sadd.s32 $0xFFFFE003, lr  }
0x1b: {  	s9 =	sadd.s32 $0xFFFFFEF7, lr;
	s5 =	simm.s32 $0xFFFFFFFF;
	p2 =	slt.u32 s8, $0xFFFFF086  }
0x1c: {  	p1 =	slt.u32 s9, $0xF7A;
	s5 =	simm.s32 @!p2 $0x0  }
0x1d: {  	s5 =	simm.s32 @p1 $0x1;
	p0 =	seq.s32 s7, s2  }
0x1e: {  	s7 =	smul.u32 @!p0 $0xF7A, s2;
	p2 =	seq.s32 @!p0 s5, $0x0  }
0x1f: {  	s9 =	smul.u32 $0xF7A, s1;
	s8 =	simm.s32 @!p0 $0x1BF5;
	p2 =	por !p2, p0  }
0x20: {  	[sflag:s8] =	ssyncset.s32 @!p0 $0xFFFFF086;
	s6 =	sadd.s32 @!p0 s3, s7;
	s7 =	simm.s32 @!p0 $0x108  }
0x21: {  	s3 =	sadd.s32 s3, s9;
	s6 =	sadd.s32 @!p0 $0x88, s6;
	s7 =	simm.s32 @p2 $0x1082  }
0x22: {  	[simem:s7], [sflag:s8] =	dma.local @!p0 [hbm:s6], $0xF7A  }
0x23: {  	s9 =	sor.u32 $0xD0000000, s2;
	s6 =	simm.s32 $0x108;
	_ =	swait.ge @!p0 [sflag:s8], $0x0  }
0x24: {  	s3 =	sadd.s32 $0x88, s3;
	s6 =	simm.s32 @!p1 $0x1082;
	[sflag:s4] =	ssyncset.s32 $0xFFFFF086  }
0x25: {  	[simem:s6], [sflag:s4] =	dma.local [hbm:s3], $0xF7A  }
0x26: {  	[smem:$0x3F95] =	sst s1;
	(tag) =	ssettag s2;
	_ =	strace s9  }
0x27: {  	s1 =	sld [smem:$0x3FA5]  }
0x28: {  	s2 =	sld [smem:$0x3FA6]  }
0x29: {  	s4 =	sld [smem:$0x3FA8]  }
0x2a: {  	p0 =	seq.s32 s5, $0x0;
	s5 =	sld [smem:$0x3FA9]  }
0x2b: {  	s6 =	sld [smem:$0x3FAA]  }
0x2c: {  	s7 =	sld [smem:$0x3FAB]  }
0x2d: {  	s3 =	simm.s32 $0x108;
	s8 =	sld [smem:$0x3FAC]  }
0x2e: {  	s3 =	simm.s32 @!p0 $0x1082;
	s9 =	sld [smem:$0x3FAD]  }
0x2f: {  	lr =	sadd.s32 s0, s3;
	s0 =	sld [smem:$0x3FA4]  }
0x30: {  	s3 =	sld [smem:$0x3FA7]  }
0x31: {  	[smem:$0x3FB0] =	sst s10  }
0x32: {  	s10 =	sld [smem:$0x3FAE];
	_ =	sdelay $0x3  }
0x33: {  	p0 =	seq.s32 s10, $0x1;
	s10 =	sld [smem:$0x3FB0];
	_ =	sdelay $0x3  }
0x34: {  	[smem:$0x3FB0] =	sst s10  }
0x35: {  	s10 =	sld [smem:$0x3FAF];
	_ =	sdelay $0x3  }
0x36: {  	p1 =	seq.s32 s10, $0x1;
	s10 =	sld [smem:$0x3FB0];
	_ =	sdelay $0x3  }
0x37: {  	[smem:$0x3FB0] =	sst s10  }
0x38: {  	s10 =	sld [smem:$0x3FB1]  }
0x39: {  	_ = 	snop;
	(pc) =	sbr.ind lr, $3  }
0x3a: {  	_ = 	snop  }
0x3b: {  	_ = 	snop  }
0x3c: {  	p2 =	seq.s32 s10, $0x1;
	s10 =	sld [smem:$0x3FB0]  }
0x3d: {  	_ =	shalt  }
0x3e: {  	_ =	shalt  }
0x3f: {  	_ =	shalt  }
0x40: {  	_ =	shalt  }
0x41: {  	_ =	shalt  }
0x42: {  	_ =	shalt  }
0x43: {  	_ =	shalt  }
0x44: {  	_ =	shalt  }
0x45: {  	_ =	shalt  }
0x46: {  	_ =	shalt  }
0x47: {  	_ =	shalt  }
0x48: {  	_ =	shalt  }
0x49: {  	_ =	shalt  }
0x4a: {  	_ =	shalt  }
0x4b: {  	_ =	shalt  }
0x4c: {  	_ =	shalt  }
0x4d: {  	_ =	shalt  }
0x4e: {  	_ =	shalt  }
0x4f: {  	_ =	shalt  }
0x50: {  	_ =	shalt  }
0x51: {  	_ =	shalt  }
0x52: {  	_ =	shalt  }
0x53: {  	_ =	shalt  }
0x54: {  	_ =	shalt  }
0x55: {  	_ =	shalt  }
0x56: {  	_ =	shalt  }
0x57: {  	_ =	shalt  }
0x58: {  	_ =	shalt  }
0x59: {  	_ =	shalt  }
0x5a: {  	_ =	shalt  }
0x5b: {  	_ =	shalt  }
0x5c: {  	_ =	shalt  }
0x5d: {  	_ =	shalt  }
0x5e: {  	_ =	shalt  }
0x5f: {  	_ =	shalt  }
0x60: {  	_ =	shalt  }
0x61: {  	_ =	shalt  }
0x62: {  	_ =	shalt  }
0x63: {  	_ =	shalt  }
0x64: {  	_ =	shalt  }
0x65: {  	_ =	shalt  }
0x66: {  	_ =	shalt  }
0x67: {  	_ =	shalt  }
0x68: {  	_ =	shalt  }
0x69: {  	_ =	shalt  }
0x6a: {  	_ =	shalt  }
0x6b: {  	_ =	shalt  }
0x6c: {  	_ =	shalt  }
0x6d: {  	_ =	shalt  }
0x6e: {  	_ =	shalt  }
0x6f: {  	_ =	shalt  }
0x70: {  	_ =	shalt  }
0x71: {  	_ =	shalt  }
0x72: {  	_ =	shalt  }
0x73: {  	_ =	shalt  }
0x74: {  	_ =	shalt  }
0x75: {  	_ =	shalt  }
0x76: {  	_ =	shalt  }
0x77: {  	_ =	shalt  }
0x78: {  	_ =	shalt  }
0x79: {  	_ =	shalt  }
0x7a: {  	_ =	shalt  }
0x7b: {  	_ =	shalt  }
0x7c: {  	_ =	shalt  }
0x7d: {  	_ =	shalt  }
0x7e: {  	_ =	shalt  }
0x7f: {  	_ =	shalt  }
0x80: {  	_ =	shalt  }
0x81: {  	_ =	shalt  }
0x82: {  	_ =	shalt  }
0x83: {  	_ =	shalt  }
0x84: {  	_ =	shalt  }
0x85: {  	_ =	shalt  }
0x86: {  	_ =	shalt  }
0x87: {  	_ =	shalt  }
.Lfunc_end0:
.L_simem_size_0:
called_computation.1_lowered:
.L_overlay_start_0:
0x88: {  	s2 =	sld [smem:$0x3FD9]  }
0x89: {  	s3 =	sld [smem:$0x3FFE];
	_ =	sdelay $0x1  }
0x8a: {  	s1 =	srdreg.scid  }
0x8b: {  	s0 =	sand.u32 $0x1, s1  }
0x8c: {  	s14 =	sshll.u32 s0, $0xA;
	s2 =	sadd.s32 s3, s2  }
0x8d: {  	s2 =	sadd.s32 s2, s14  }
0x8e: {  	[smem:$0x3FBC] =	sst s2  }
0x8f: {  	_ = 	snop  }
0x90: {  	s2 =	sld [smem:$0x3FD0];
	_ =	sdelay $0x2  }
0x91: {  	s15 =	simm.s32 $0xA;
	s4 =	simm.s32 $0x10  }
0x92: {  	[smem:s4], [sflag:s15] =	dma.local [hbm:s2], $0x1  }
0x93: {  	_ =	swait.eq [sflag:s15], $0x1  }
0x94: {  	[sflag:s15] =	ssyncset.done $0x0  }
0x95: {  	s16 =	sld [smem:$0x10];
	[sflag:s15] =	ssyncadd.s32 $0xFFFFFFFF  }
0x96: {  	s17 =	sld [smem:$0x12];
	(tm) =	ssettm $0x1  }
0x97: {  	s18 =	sld [smem:$0x3FFB];
	_ =	sdelay $0x3  }
0x98: {  	_ =	strace s18  }
0x99: {  	s4 =	sld [smem:$0x3FFC];
	_ =	sdelay $0x3  }
0x9a: {  	_ =	strace s4  }
0x9b: {  	s4 =	sld [smem:$0x3FFD];
	_ =	sdelay $0x3  }
0x9c: {  	_ =	strace s4  }
0x9d: {  	_ =	strace $0x8FFFFFFF  }
0x9e: {  	s19 =	sld [smem:$0x3FDB];
	_ =	sdelay $0x1  }
0x9f: {  	s5 =	simm.s32 $_scs_section_size  }
0xa0: {  	s6 =	simm.s32 $_size__tile_overlayer_lowered;
	s7 =	simm.s32 $_tile_overlayer_lowered  }
0xa1: {  	s22 =	simm.s32 $0x1BFF;
	s21 =	sshll.u32 s7, $0x1;
	s4 =	sadd.s32 s5, s19  }
0xa2: {  	s8 =	simm.s32 $0x0;
	s20 =	sshll.u32 s6, $0x1;
	s6 =	sadd.s32 s21, s4  }
0xa3: {  	[timem:s8], [sflag:s22] =	dma.local [hbm:s6], s20  }
0xa4: {  	_ =	swait.ge [sflag:s22], s20  }
0xa5: {  	s5 =	ssub.s32 $0x0, s20;
	[sflag:s22] =	ssyncset.done $0x0  }
0xa6: {  	[sflag:s22] =	ssyncadd.s32 s5;
	_ =	sdelay $0x1  }
0xa7: {  	s23 =	simm.s32 $0x1B8B  }
0xa8: {  	_ =	swait.ge [sflag:s23], $0x1  }
0xa9: {  	[sflag:s23] =	ssyncset.done $0x0  }
0xaa: {  	s25 =	simm.s32 $0x1B8E;
	s24 =	sld [smem:$0x3FFE];
	[sflag:s23] =	ssyncadd.s32 $0xFFFFFFFF  }
0xab: {  	s26 =	simm.s32 $execute0_lowered;
	[smem:$0x3FD2] =	sst s25  }
0xac: {  	s6 =	sshll.u32 s26, $0x1;
	_ =	strace $0x80000049;
	[dreg:$0x1] =	wrdreg $0xFFFFFFFF  }
0xad: {  	s28 =	simm.s32 $_size_execute0_lowered;
	s4 =	sadd.s32 s4, s6;
	[dreg:$0x0] =	wrdreg $0x0  }
0xae: {  	s6 =	sshll.u32 s28, $0x1;
	[dreg:$0x2] =	wrdreg s4  }
0xaf: {  	[dreg:$0x3] =	wrdreg s6  }
0xb0: {  	[dreg:$0x4] =	wrdreg $0xC0  }
0xb1: {  	_ =	task [dreg:s8], $0x5FFFF  }
0xb2: {  	[dreg:$0x1] =	wrdreg $0xFFFFFFFF  }
0xb3: {  	[dreg:$0x0] =	wrdreg $0x60  }
0xb4: {  	[dreg:$0x2] =	wrdreg s24  }
0xb5: {  	[dreg:$0x3] =	wrdreg s16  }
0xb6: {  	[dreg:$0x4] =	wrdreg s17  }
0xb7: {  	[dreg:$0x5] =	wrdreg $0x65000  }
0xb8: {  	[dreg:$0x6] =	wrdreg $0x9  }
0xb9: {  	_ =	task.clear_ibuf [dreg:s8], $0x7FFFF;
	_ =	strace $0x90000049  }
0xba: {  	s29 =	simm.s32 $0x9;
	_ =	strace $0x8000004B  }
0xbb: {  	_ =	swait.ge [sflag:s29], $0x1  }
0xbc: {  	[sflag:s29] =	ssyncadd.s32 $0xFFFFFFFF  }
0xbd: {  	_ =	strace $0x9000004B  }
0xbe: {  	_ =	sfence  }
0xbf: {  	s30 =	sld [smem:$0x0];
	_ =	sdelay $0x2  }
0xc0: {  	s31 =	sshll.u32 s1, $0xD;
	s1 =	sshrl.u32 s1, $0x2  }
0xc1: {  	s3 =	sand.u32 $0x4000, s31;
	s1 =	sadd.s32 s1, s30  }
0xc2: {  	s0 =	sor.u32 s3, s0;
	s1 =	sshll.u32 s1, $0x11  }
0xc3: {  	s0 =	sor.u32 s1, s0  }
0xc4: {  	s0 =	sadd.s32 $0x8F2B, s0  }
0xc5: {  	[sflag:s0] =	ssyncadd.remote.s32 $0x1  }
0xc6: {  	_ =	sfence.sel $0xFFFF  }
0xc7: {  	[dreg:$0x0] =	wrdreg $0xFFFFFFFF;
	(pc) =	sbr.abs _section_cstart, $3  }
0xc8: {  	[dreg:$0x1] =	wrdreg $0xFFFFFFFF  }
0xc9: {  	_ =	task.clear_ibuf [dreg:s8], $0x2FFFF;
	_ =	strace $0x9FFFFFFF  }
0xca: {  	(tm) =	ssettm $0x7FFFFFFF  }
0xcb: {  	_ =	shalt  }
tec
execute0_lowered:
.L_overlay_start_1:
0x0: {  	(tag) =	ssettag $0x1  }
0x1: {  	s5 =	rddreg [dreg:$0x0]  }
0x2: {  	s2 =	rddreg [dreg:$0x1]  }
0x3: {  	s14 =	rddreg [dreg:$0x2];
	s1 =	stileid.u32  }
0x4: {  	s3 =	rddreg [dreg:$0x3];
	s6 =	smul.u32 $0x4E200, s1  }
0x5: {  	s0 =	rddreg [dreg:$0x4];
	s18 =	smul.u32 $0x4E20, s1  }
0x6: {  	s7 =	srdreg.scid;
	s4 =	simm.s32 $0x0;
	s20 =	smul.u32 $0x50000, s1  }
0x7: {  	s11 =	sand.u32 $0x1, s7;
	[smem:$0x7FF] =	sst s4;
	s15 =	smul.u32 $0x14000, s1  }
0x8: {  	s22 =	sshll.u32 s1, $0x6;
	s8 =	smul.u32 $0x2710, s11;
	_ =	strace $0x8000004A  }
0x9: {  	s21 =	ssub.s32 $0x2, s11;
	s12 =	smul.u32 $0x140000, s11;
	s13 =	sadd.s32 s6, s5  }
0xa: {  	s9 =	sshrl.u32 s21, $0x1;
	s7 =	sshrl.u32 s20, $0x2;
	s24 =	sadd.s32 $0x5000, s15  }
0xb: {  	s26 =	sadd.s32 $0xA000, s15;
	s20 =	simm.s32 $0xC8;
	s19 =	sadd.s32 s8, s18  }
0xc: {  	s8 =	ssub.s32 s21, s9;
	s23 =	sadd.s32 s12, s15;
	s17 =	sadd.s32 s12, s24  }
0xd: {  	s9 =	sadd.s32 s24, s3;
	s18 =	sadd.s32 s12, s26;
	s15 =	sadd.s32 $0xF000, s15  }
0xe: {  	s21 =	simm.s32 $0x0;
	s6 =	sshrl.u32 s19, $0x3;
	s10 =	sshrl.u32 s23, $0x3  }
0xf: {  	s25 =	sshrl.u32 s17, $0x3;
	s19 =	smul.u32 $0x27100, s11;
	s11 =	sadd.s32 s26, s3  }
0x10: {  	s28 =	sshrl.u32 s18, $0x3;
	s29 =	sadd.s32 s12, s15;
	s18 =	simm.s32 $0x1  }
0x11: {  	s16 =	sadd.s32 s6, s5;
	s5 =	sadd.s32 s7, s3;
	s6 =	sor.u32 $0x1C01, s22  }
0x12: {  	s7 =	smax.u32 s8, $0x1;
	s8 =	sadd.s32 s14, s10;
	s10 =	sadd.s32 s14, s25  }
0x13: {  	s12 =	sadd.s32 s14, s28;
	s30 =	sshrl.u32 s29, $0x3;
	s31 =	sadd.s32 s19, s13  }
0x14: {  	s13 =	sadd.s32 s15, s3;
	s14 =	sadd.s32 s14, s30;
	s16 =	sadd.s32 $0x3400, s16  }
0x15: {  	s17 =	sshrl.u32 s5, $0x3;
	s19 =	simm.s32 $0x100;
	s15 =	sadd.s32 $0x1396600, s31  }
.LBB2_1:
0x16: {  	[spmem:s17], [sflag:s6] =	dma.local [hbm:s2], $0x2800  }
0x17: {  	_ =	swait.ge [sflag:s18], $0x2800  }
0x18: {  	[sflag:s18] =	ssyncset.done $0x0  }
0x19: {  	[sflag:s18] =	ssyncadd.s32 $0xFFFFD800  }
0x1a: {  	s22 =	sadd.s32 $0x0, s16;
	[bflag:$0x0] =	sbarrier.arrive $0xFFFF  }
0x1b: {  	[tilespmem:s4], [sflag:$0x1] =	stream.linear.gather [hbm4b:s22+s4], $0xC8, $0x38;
	[tilespmem:$0x1A500] =	vst v63  }
0x1c: {  	_ =	swait.ge [sflag:s18], $0xC8  }
0x1d: {  	[sflag:s18] =	ssyncset.done $0x0  }
0x1e: {  	[sflag:s18] =	ssyncadd.s32 $0xFFFFFF38  }
0x1f: {  	[tilespmem:s19], [sflag:$0x1] =	stream.linear.gather [hbm4b:s15+s4], $0x6400, $0x38;
	[tilespmem:$0x1A500] =	vst v63  }
0x20: {  	_ =	swait.ge [sflag:s18], $0x6400  }
0x21: {  	[sflag:s18] =	ssyncset.done $0x0  }
0x22: {  	[sflag:s18] =	ssyncadd.s32 $0xFFFF9C00  }
0x23: {  	[spmem:s3] =	stream.indirect.scatter.add.f32 [tilespmem:s19], [sflag:$0x1], $0x80, s4, s20, $0xb8;
	[tilespmem:$0x1A500] =	vst v63  }
0x24: {  	s23 =	simm.s32 $0x19;
	_ =	swait.ge [sflag:s18], $0x6400  }
0x25: {  	s24 =	simm.s32 $0x32;
	s22 =	sadd.s32 $0xC80, s15;
	[sflag:s18] =	ssyncset.done $0x0  }
.LBB2_2:
0x26: {  	s25 =	sadd.s32 s23, s16  }
0x27: {  	[sflag:s18] =	ssyncadd.s32 $0xFFFF9C00;
	s23 =	smov.u32 s24;
	s26 =	sadd.s32 $0x19, s24  }
0x28: {  	[tilespmem:s4], [sflag:$0x1] =	stream.linear.gather [hbm4b:s25+s4], $0xC8, $0x38;
	[tilespmem:$0x1A500] =	vst v63  }
0x29: {  	p0 =	sne.s32 s24, $0x4C9;
	_ =	swait.ge [sflag:s18], $0xC8  }
0x2a: {  	[sflag:s18] =	ssyncset.done $0x0  }
0x2b: {  	[sflag:s18] =	ssyncadd.s32 $0xFFFFFF38  }
0x2c: {  	[tilespmem:s19], [sflag:$0x1] =	stream.linear.gather [hbm4b:s22+s4], $0x6400, $0x38;
	[tilespmem:$0x1A500] =	vst v63  }
0x2d: {  	_ =	swait.ge [sflag:s18], $0x6400  }
.Ltmp0:
0x2e: {  	[sflag:s18] =	ssyncset.done $0x0;
	(pc) =	sbr.rel @p0 .LBB2_2-.Ltmp0, $4  }
0x2f: {  	[sflag:s18] =	ssyncadd.s32 $0xFFFF9C00  }
0x30: {  	[spmem:s3] =	stream.indirect.scatter.add.f32 [tilespmem:s19], [sflag:$0x1], $0x80, s4, s20, $0xb8;
	[tilespmem:$0x1A500] =	vst v63  }
0x31: {  	_ =	swait.ge [sflag:s18], $0x6400  }
0x32: {  	s24 =	smov.u32 s26;
	s22 =	sadd.s32 $0xC80, s22;
	[sflag:s18] =	ssyncset.done $0x0  }
0x33: {  	s23 =	sadd.s32 s23, s16;
	[sflag:s18] =	ssyncadd.s32 $0xFFFF9C00  }
0x34: {  	[tilespmem:s4], [sflag:$0x1] =	stream.linear.gather [hbm4b:s23+s4], $0xC8, $0x38;
	[tilespmem:$0x1A500] =	vst v63  }
0x35: {  	_ =	swait.ge [sflag:s18], $0xC8  }
0x36: {  	[sflag:s18] =	ssyncset.done $0x0  }
0x37: {  	[sflag:s18] =	ssyncadd.s32 $0xFFFFFF38  }
0x38: {  	[tilespmem:s19], [sflag:$0x1] =	stream.linear.gather [hbm4b:s22+s4], $0x6400, $0x38;
	[tilespmem:$0x1A500] =	vst v63  }
0x39: {  	_ =	swait.ge [sflag:s18], $0x6400  }
0x3a: {  	[sflag:s18] =	ssyncset.done $0x0  }
0x3b: {  	[sflag:s18] =	ssyncadd.s32 $0xFFFF9C00  }
0x3c: {  	[spmem:s3] =	stream.indirect.scatter.add.f32 [tilespmem:s19], [sflag:$0x1], $0x80, s4, s20, $0xb8;
	[tilespmem:$0x1A500] =	vst v63  }
0x3d: {  	_ =	swait.ge [sflag:s18], $0x6400  }
0x3e: {  	[sflag:s18] =	ssyncset.done $0x0  }
0x3f: {  	[sflag:s18] =	ssyncadd.s32 $0xFFFF9C00  }
0x40: {  	[bflag:$0x0] =	sbarrier.arrive $0xFFFF  }
0x41: {  	[tilespmem:s19], [sflag:$0x1] =	stream.linear.gather [spmem:s5], $0x5000, $0x38;
	[tilespmem:$0x1A500] =	vst v63  }
0x42: {  	_ =	swait.ge [sflag:s18], $0x5000  }
0x43: {  	[sflag:s18] =	ssyncset.done $0x0  }
0x44: {  	[sflag:s18] =	ssyncadd.s32 $0xFFFFB000  }
0x45: {  	[hbm4b:s8+s4] =	stream.linear.scatter [tilespmem:s19], [sflag:$0x1], $0x5000, $0x38;
	[tilespmem:$0x1A500] =	vst v63  }
0x46: {  	_ =	swait.ge [sflag:s18], $0x5000  }
0x47: {  	[sflag:s18] =	ssyncset.done $0x0  }
0x48: {  	[sflag:s18] =	ssyncadd.s32 $0xFFFFB000  }
0x49: {  	[tilespmem:s19], [sflag:$0x1] =	stream.linear.gather [spmem:s9], $0x5000, $0x38;
	[tilespmem:$0x1A500] =	vst v63  }
0x4a: {  	_ =	swait.ge [sflag:s18], $0x5000  }
0x4b: {  	[sflag:s18] =	ssyncset.done $0x0  }
0x4c: {  	[sflag:s18] =	ssyncadd.s32 $0xFFFFB000  }
0x4d: {  	[hbm4b:s10+s4] =	stream.linear.scatter [tilespmem:s19], [sflag:$0x1], $0x5000, $0x38;
	[tilespmem:$0x1A500] =	vst v63  }
0x4e: {  	_ =	swait.ge [sflag:s18], $0x5000  }
0x4f: {  	[sflag:s18] =	ssyncset.done $0x0  }
0x50: {  	[sflag:s18] =	ssyncadd.s32 $0xFFFFB000  }
0x51: {  	[tilespmem:s19], [sflag:$0x1] =	stream.linear.gather [spmem:s11], $0x5000, $0x38;
	[tilespmem:$0x1A500] =	vst v63  }
0x52: {  	_ =	swait.ge [sflag:s18], $0x5000  }
0x53: {  	[sflag:s18] =	ssyncset.done $0x0  }
0x54: {  	[sflag:s18] =	ssyncadd.s32 $0xFFFFB000  }
0x55: {  	[hbm4b:s12+s4] =	stream.linear.scatter [tilespmem:s19], [sflag:$0x1], $0x5000, $0x38;
	[tilespmem:$0x1A500] =	vst v63  }
0x56: {  	_ =	swait.ge [sflag:s18], $0x5000  }
0x57: {  	[sflag:s18] =	ssyncset.done $0x0  }
0x58: {  	[sflag:s18] =	ssyncadd.s32 $0xFFFFB000  }
0x59: {  	[tilespmem:s19], [sflag:$0x1] =	stream.linear.gather [spmem:s13], $0x5000, $0x38;
	[tilespmem:$0x1A500] =	vst v63  }
0x5a: {  	s21 =	sadd.s32 $0x1, s21;
	_ =	swait.ge [sflag:s18], $0x5000  }
0x5b: {  	p0 =	sne.s32 s21, s7;
	[sflag:s18] =	ssyncset.done $0x0  }
.Ltmp1:
0x5c: {  	[sflag:s18] =	ssyncadd.s32 $0xFFFFB000;
	(pc) =	sbr.rel @p0 .LBB2_1-.Ltmp1, $4  }
0x5d: {  	[hbm4b:s14+s4] =	stream.linear.scatter [tilespmem:s19], [sflag:$0x1], $0x5000, $0x38;
	[tilespmem:$0x1A500] =	vst v63  }
0x5e: {  	_ =	swait.ge [sflag:s18], $0x5000  }
0x5f: {  	[sflag:s18] =	ssyncset.done $0x0  }
0x60: {  	[sflag:s18] =	ssyncadd.s32 $0xFFFFB000  }
0x61: {  	_ =	sfence.sel $0x180000  }
0x62: {  	[bflag:$0x0] =	sbarrier.arrive $0xFFFF  }
0x63: {  	p0 =	sne.s32 s1, $0x0;
	_ =	strace $0x9000004A  }
0x64: {  	s0 =	sadd.s32 @!p0 $0x100000, s0;
	[bflag:$0x2] =	sbarrier.arrive $0xFFFF  }
0x65: {  	[sflag:s0] =	ssyncadd.tile.s32 @!p0 $0x1;
	_ =	shalt  }
.Lfunc_end2:
_tile_overlayer_lowered:
.L_overlay_start_2:
0x66: {  	(tag) =	ssettag $0x2  }
0x67: {  	s0 =	rddreg [dreg:$0x0];
	s2 =	stileid.u32  }
0x68: {  	s1 =	rddreg [dreg:$0x1];
	p0 =	sne.s32 s2, $0x0  }
0x69: {  	s3 =	rddreg [dreg:$0x2];
	[bflag:$0x3] =	sbarrier.arrive $0xFFFF;
	s2 =	simm.s32 @!p0 $0x1C01  }
0x6a: {  	[timem:s3], [sflag:s2] =	dma.local @!p0 [hbm:s0], s1  }
0x6b: {  	s0 =	simm.s32 @!p0 $0x1  }
0x6c: {  	_ =	swait.ge @!p0 [sflag:s0], s1  }
0x6d: {  	s1 =	ssub.s32 @!p0 $0x0, s1;
	[sflag:s0] =	ssyncset.done @!p0 $0x0  }
0x6e: {  	[sflag:s0] =	ssyncadd.s32 @!p0 s1  }
0x6f: {  	[bflag:$0x3] =	sbarrier.arrive $0xFFFF  }
0x70: {  	_ =	shalt  }

</sc_bundles>
